<compile_context>
chip_gen: v7x
topology: tpu7x:2x2x1
jax: 0.10.2.dev20260603
libtpu: 0.0.44.dev20260713+nightly
codegen_flags: <defaults>
</compile_context>

<pallas_src>
import functools

import jax
import jax.numpy as jnp
from jax import lax
from jax.experimental import pallas as pl
from jax.experimental.pallas import tpu as pltpu
from jax.experimental.pallas import tpu_sc as plsc

B, T = 1024, 200
VOCAB = 1024
D = 128
N = B * T
NC, NS = 2, 16
NW = NC * NS
TOK_PER_W = N // NW
C = 128
NCHUNK = TOK_PER_W // C
NSET = 4
ROWS_PER_TILE = 4 * VOCAB // NS

_mesh = plsc.VectorSubcoreMesh(core_axis_name="c", subcore_axis_name="s")


@functools.partial(
    pl.kernel,
    mesh=_mesh,
    out_type=jax.ShapeDtypeStruct((N, D), jnp.float32),
    scratch_types=[
        pltpu.VMEM_SHARED((4 * VOCAB, D), jnp.float32),
        pltpu.VMEM((4, TOK_PER_W), jnp.int32),
        pltpu.VMEM((C, D), jnp.float32),
        pltpu.VMEM((C, D), jnp.float32),
        pltpu.VMEM((C, D), jnp.float32),
        pltpu.VMEM((C, D), jnp.float32),
        pltpu.SemaphoreType.DMA,
        pltpu.SemaphoreType.DMA,
        pltpu.SemaphoreType.DMA,
        pltpu.SemaphoreType.DMA,
        pltpu.SemaphoreType.DMA,
        pltpu.SemaphoreType.DMA,
        pltpu.SemaphoreType.DMA,
        pltpu.SemaphoreType.DMA,
        pltpu.SemaphoreType.DMA,
        pltpu.SemaphoreType.DMA,
        pltpu.SemaphoreType.DMA,
        pltpu.SemaphoreType.DMA,
        pltpu.SemaphoreType.DMA,
        pltpu.SemaphoreType.DMA,
        pltpu.SemaphoreType.DMA,
        pltpu.SemaphoreType.DMA,
    ],
)
def _emb_sum_kernel(w_hbm, idx_hbm, out_hbm,
                    w_sh, idxv, acc0, acc1, acc2, acc3,
                    bs0, bs1, bs2, bs3, as0, as1, as2, as3,
                    os0, os1, os2, os3, hs0, hs1, hs2, hs3):
    cid = lax.axis_index("c")
    sid = lax.axis_index("s")
    wid = sid * NC + cid
    base0 = wid * TOK_PER_W
    accs = (acc0, acc1, acc2, acc3)
    bsems = (bs0, bs1, bs2, bs3)
    asems = (as0, as1, as2, as3)
    osems = (os0, os1, os2, os3)
    hsems = (hs0, hs1, hs2, hs3)
    w_srcs = (w_sh, w_sh, w_sh, w_hbm)

    pltpu.sync_copy(w_hbm.at[pl.ds(sid * ROWS_PER_TILE, ROWS_PER_TILE)],
                    w_sh.at[pl.ds(sid * ROWS_PER_TILE, ROWS_PER_TILE)])
    for k in range(4):
        pltpu.sync_copy(idx_hbm.at[k, pl.ds(base0, TOK_PER_W)], idxv.at[k])
    plsc.subcore_barrier()

    def base_cp(ci, s):
        return pltpu.make_async_copy(
            w_sh.at[idxv.at[0, pl.ds(ci * C, C)]], accs[s], bsems[s])

    def add_start(ci, s, k):
        sem = hsems[s] if k == 3 else asems[s]
        pltpu.async_copy(
            w_srcs[k].at[idxv.at[k, pl.ds(ci * C, C)]], accs[s], sem,
            add=True)

    def add_wait(ci, s, k):
        sem = hsems[s] if k == 3 else asems[s]
        pltpu.make_async_copy(
            w_srcs[k].at[idxv.at[k, pl.ds(ci * C, C)]], accs[s], sem).wait()

    def out_cp(ci, s):
        return pltpu.make_async_copy(
            accs[s], out_hbm.at[pl.ds(base0 + ci * C, C)], osems[s])

    def step(ci, d, do_a, wait_b, issue_b, do_c):
        if do_a:
            sa = (d - 1) % NSET
            for k in range(1, 4):
                add_wait(ci - 1, sa, k)
            out_cp(ci - 1, sa).start()
        sb = (d + 1) % NSET
        if wait_b:
            out_cp(ci - 3, sb).wait()
        if issue_b:
            base_cp(ci + 1, sb).start()
        if do_c:
            sc_ = d % NSET
            base_cp(ci, sc_).wait()
            for k in range(1, 4):
                add_start(ci, sc_, k)

    base_cp(0, 0).start()
    step(0, 0, do_a=False, wait_b=False, issue_b=True, do_c=True)
    step(1, 1, do_a=True, wait_b=False, issue_b=True, do_c=True)
    step(2, 2, do_a=True, wait_b=False, issue_b=True, do_c=True)
    step(3, 3, do_a=True, wait_b=True, issue_b=True, do_c=True)

    def body(g, carry):
        ci = 4 * g
        for d in range(4):
            step(ci + d, d, do_a=True, wait_b=True, issue_b=True, do_c=True)
        return carry

    lax.fori_loop(1, NCHUNK // 4, body, 0)
    ci_t = NCHUNK - 2
    step(ci_t, ci_t % NSET, do_a=True, wait_b=True, issue_b=True, do_c=True)
    step(ci_t + 1, (ci_t + 1) % NSET, do_a=True, wait_b=True, issue_b=False,
         do_c=True)
    s_last = (NCHUNK - 1) % NSET
    for k in range(1, 4):
        add_wait(NCHUNK - 1, s_last, k)
    out_cp(NCHUNK - 1, s_last).start()
    for ci in (NCHUNK - 3, NCHUNK - 2, NCHUNK - 1):
        out_cp(ci, ci % NSET).wait()


def kernel(x, W_sy, W_tone, W_syllable_flag, W_ws):
    w_cat = jnp.concatenate([W_sy, W_tone, W_syllable_flag, W_ws], axis=0)
    idx = x.reshape(N, 4) + jnp.arange(4, dtype=jnp.int32) * VOCAB
    idx_all = idx.T
    out = _emb_sum_kernel(w_cat, idx_all)
    return out.reshape(B, T, D)

# --- scband reference (transcript-rebuilt; emitter-appended) ---
"""Pipeline reference for scband-ali-linguistic-embedding-61375082659959 (READ-ONLY COPY).

The authoritative reference and input builder live on the scoring server;
editing this copy changes nothing except your own understanding.
"""

import jax, jax.numpy as jnp
import numpy as np

B, T = 1024, 200
VOCAB = 1024
D = 128

def setup_inputs(seed: int = 0) -> dict:
    key = jax.random.key(seed)
    k_x, k_sy, k_tone, k_syl, k_ws = jax.random.split(key, 5)
    x = jax.random.randint(k_x, (B, T, 4), 0, VOCAB, dtype=jnp.int32)
    W_sy = jax.random.normal(k_sy, (VOCAB, D), dtype=jnp.float32)
    W_tone = jax.random.normal(k_tone, (VOCAB, D), dtype=jnp.float32)
    W_syllable_flag = jax.random.normal(k_syl, (VOCAB, D), dtype=jnp.float32)
    W_ws = jax.random.normal(k_ws, (VOCAB, D), dtype=jnp.float32)
    return {"x": x, "W_sy": W_sy, "W_tone": W_tone, "W_syllable_flag": W_syllable_flag, "W_ws": W_ws}

def reference(x, W_sy, W_tone, W_syllable_flag, W_ws):
    inputs_sy = x[:, :, 0]
    inputs_tone = x[:, :, 1]
    inputs_syllable_flag = x[:, :, 2]
    inputs_ws = x[:, :, 3]
    sy_embedding = jnp.take(W_sy, inputs_sy, axis=0)
    tone_embedding = jnp.take(W_tone, inputs_tone, axis=0)
    syllable_flag_embedding = jnp.take(W_syllable_flag, inputs_syllable_flag, axis=0)
    ws_embedding = jnp.take(W_ws, inputs_ws, axis=0)
    ling_embedding = sy_embedding + tone_embedding + syllable_flag_embedding + ws_embedding
    return ling_embedding

if __name__ == "__main__":
    import jax
    _d = setup_inputs()
    print(jax.jit(kernel)(*tuple(_d.values())))

</pallas_src>

<mosaic_0001>
#map = affine_map<(d0, d1) -> (0, 0)>
module attributes {stable_mosaic.version = 14 : i64} {
  func.func @_emb_sum_kernel(%arg0: i32, %arg1: i32, %arg2: memref<4096x128xf32, #tpu.memory_space<hbm>>, %arg3: memref<4x204800xi32, #tpu.memory_space<hbm>>, %arg4: memref<204800x128xf32, #tpu.memory_space<hbm>>, %arg5: memref<4096x128xf32, #tpu.memory_space<vmem_shared>>, %arg6: memref<4x6400xi32, #tpu.memory_space<vmem>>, %arg7: memref<128x128xf32, #tpu.memory_space<vmem>>, %arg8: memref<128x128xf32, #tpu.memory_space<vmem>>, %arg9: memref<128x128xf32, #tpu.memory_space<vmem>>, %arg10: memref<128x128xf32, #tpu.memory_space<vmem>>, %arg11: memref<!tpu.dma_semaphore, #tpu.memory_space<semaphore_mem>>, %arg12: memref<!tpu.dma_semaphore, #tpu.memory_space<semaphore_mem>>, %arg13: memref<!tpu.dma_semaphore, #tpu.memory_space<semaphore_mem>>, %arg14: memref<!tpu.dma_semaphore, #tpu.memory_space<semaphore_mem>>, %arg15: memref<!tpu.dma_semaphore, #tpu.memory_space<semaphore_mem>>, %arg16: memref<!tpu.dma_semaphore, #tpu.memory_space<semaphore_mem>>, %arg17: memref<!tpu.dma_semaphore, #tpu.memory_space<semaphore_mem>>, %arg18: memref<!tpu.dma_semaphore, #tpu.memory_space<semaphore_mem>>, %arg19: memref<!tpu.dma_semaphore, #tpu.memory_space<semaphore_mem>>, %arg20: memref<!tpu.dma_semaphore, #tpu.memory_space<semaphore_mem>>, %arg21: memref<!tpu.dma_semaphore, #tpu.memory_space<semaphore_mem>>, %arg22: memref<!tpu.dma_semaphore, #tpu.memory_space<semaphore_mem>>, %arg23: memref<!tpu.dma_semaphore, #tpu.memory_space<semaphore_mem>>, %arg24: memref<!tpu.dma_semaphore, #tpu.memory_space<semaphore_mem>>, %arg25: memref<!tpu.dma_semaphore, #tpu.memory_space<semaphore_mem>>, %arg26: memref<!tpu.dma_semaphore, #tpu.memory_space<semaphore_mem>>) attributes {dimension_semantics = [#tpu.dimension_semantics<core_parallel>, #tpu.dimension_semantics<subcore_parallel>], iteration_bounds = array<i64: 2, 16>, scalar_prefetch = 0 : i64, scratch_operands = 22 : i64, tpu.core_type = #tpu.core_type<sc_vector_subcore>, window_params = [{transform_indices = #map}, {transform_indices = #map}, {transform_indices = #map}]} {
    %mul3A = arith.constant 2 : i32
    %mul3A_0 = arith.muli %arg1, %mul3A : i32
    %add3A = arith.addi %mul3A_0, %arg0 : i32
    %mul3A_1 = arith.constant 6400 : i32
    %mul3A_2 = arith.muli %add3A, %mul3A_1 : i32
    %mul3A_3 = arith.constant 256 : i32
    %mul3A_4 = arith.muli %arg1, %mul3A_3 : i32
    %mul3A_5 = arith.constant 256 : i32
    %mul3A_6 = arith.muli %arg1, %mul3A_5 : i32
    "tpu.region"() ({
      %run_scoped3A_425 = tpu.sem_alloc : memref<!tpu.dma_semaphore, #tpu.memory_space<semaphore_mem>>
      %dma_start3A_426 = arith.constant 0 : i32
      %dma_start3A_427 = tpu.memref_slice %arg5[%mul3A_6, %dma_start3A_426] : memref<4096x128xf32, #tpu.memory_space<vmem_shared>> -> memref<256x128xf32, #tpu.memory_space<vmem_shared>>
      %dma_start3A_428 = arith.constant 0 : i32
      %dma_start3A_429 = tpu.memref_slice %arg2[%mul3A_4, %dma_start3A_428] : memref<4096x128xf32, #tpu.memory_space<hbm>> -> memref<256x128xf32, #tpu.memory_space<hbm>>
      tpu.enqueue_dma source(%dma_start3A_429 : memref<256x128xf32, #tpu.memory_space<hbm>>) target(%dma_start3A_427 : memref<256x128xf32, #tpu.memory_space<vmem_shared>>) target_semaphore(%run_scoped3A_425 : memref<!tpu.dma_semaphore, #tpu.memory_space<semaphore_mem>>)
      %dma_wait3A_430 = arith.constant 0 : i32
      %dma_wait3A_431 = tpu.memref_slice %arg5[%mul3A_6, %dma_wait3A_430] : memref<4096x128xf32, #tpu.memory_space<vmem_shared>> -> memref<256x128xf32, #tpu.memory_space<vmem_shared>>
      %dma_wait3A_432 = arith.constant 0 : i32
      %dma_wait3A_433 = tpu.memref_slice %arg2[%mul3A_4, %dma_wait3A_432] : memref<4096x128xf32, #tpu.memory_space<hbm>> -> memref<256x128xf32, #tpu.memory_space<hbm>>
      tpu.wait_dma2 semaphore(%run_scoped3A_425 : memref<!tpu.dma_semaphore, #tpu.memory_space<semaphore_mem>>) src(%dma_wait3A_433 : memref<256x128xf32, #tpu.memory_space<hbm>>) dst(%dma_wait3A_431 : memref<256x128xf32, #tpu.memory_space<vmem_shared>>)
      tpu.yield
    }) : () -> ()
    %run_scoped3A = arith.constant 0 : i32
    %run_scoped3A_7 = arith.constant 0 : i32
    "tpu.region"() ({
      %run_scoped3A_425 = tpu.sem_alloc : memref<!tpu.dma_semaphore, #tpu.memory_space<semaphore_mem>>
      %dma_start3A_426 = arith.constant 0 : i32
      %dma_start3A_427 = tpu.memref_slice %arg6[%run_scoped3A_7, %dma_start3A_426] : memref<4x6400xi32, #tpu.memory_space<vmem>> -> memref<1x6400xi32, #tpu.memory_space<vmem>>
      %dma_start3A_428 = tpu.memref_squeeze %dma_start3A_427 : memref<1x6400xi32, #tpu.memory_space<vmem>> -> memref<6400xi32, #tpu.memory_space<vmem>>
      %dma_start3A_429 = tpu.memref_slice %arg3[%run_scoped3A, %mul3A_2] : memref<4x204800xi32, #tpu.memory_space<hbm>> -> memref<1x6400xi32, #tpu.memory_space<hbm>>
      %dma_start3A_430 = tpu.memref_squeeze %dma_start3A_429 : memref<1x6400xi32, #tpu.memory_space<hbm>> -> memref<6400xi32, #tpu.memory_space<hbm>>
      %dma_start3A_431 = arith.constant 0 : i32
      %dma_start3A_432 = tpu.memref_slice %arg6[%run_scoped3A_7, %dma_start3A_431] : memref<4x6400xi32, #tpu.memory_space<vmem>> -> memref<1x6400xi32, #tpu.memory_space<vmem>>
      %dma_start3A_433 = tpu.memref_squeeze %dma_start3A_432 : memref<1x6400xi32, #tpu.memory_space<vmem>> -> memref<6400xi32, #tpu.memory_space<vmem>>
      %dma_start3A_434 = tpu.memref_slice %arg3[%run_scoped3A, %mul3A_2] : memref<4x204800xi32, #tpu.memory_space<hbm>> -> memref<1x6400xi32, #tpu.memory_space<hbm>>
      %dma_start3A_435 = tpu.memref_squeeze %dma_start3A_434 : memref<1x6400xi32, #tpu.memory_space<hbm>> -> memref<6400xi32, #tpu.memory_space<hbm>>
      tpu.enqueue_dma source(%dma_start3A_435 : memref<6400xi32, #tpu.memory_space<hbm>>) target(%dma_start3A_433 : memref<6400xi32, #tpu.memory_space<vmem>>) target_semaphore(%run_scoped3A_425 : memref<!tpu.dma_semaphore, #tpu.memory_space<semaphore_mem>>)
      %dma_wait3A_436 = arith.constant 0 : i32
      %dma_wait3A_437 = tpu.memref_slice %arg6[%run_scoped3A_7, %dma_wait3A_436] : memref<4x6400xi32, #tpu.memory_space<vmem>> -> memref<1x6400xi32, #tpu.memory_space<vmem>>
      %dma_wait3A_438 = tpu.memref_squeeze %dma_wait3A_437 : memref<1x6400xi32, #tpu.memory_space<vmem>> -> memref<6400xi32, #tpu.memory_space<vmem>>
      %dma_wait3A_439 = tpu.memref_slice %arg3[%run_scoped3A, %mul3A_2] : memref<4x204800xi32, #tpu.memory_space<hbm>> -> memref<1x6400xi32, #tpu.memory_space<hbm>>
      %dma_wait3A_440 = tpu.memref_squeeze %dma_wait3A_439 : memref<1x6400xi32, #tpu.memory_space<hbm>> -> memref<6400xi32, #tpu.memory_space<hbm>>
      %dma_wait3A_441 = arith.constant 0 : i32
      %dma_wait3A_442 = tpu.memref_slice %arg6[%run_scoped3A_7, %dma_wait3A_441] : memref<4x6400xi32, #tpu.memory_space<vmem>> -> memref<1x6400xi32, #tpu.memory_space<vmem>>
      %dma_wait3A_443 = tpu.memref_squeeze %dma_wait3A_442 : memref<1x6400xi32, #tpu.memory_space<vmem>> -> memref<6400xi32, #tpu.memory_space<vmem>>
      %dma_wait3A_444 = tpu.memref_slice %arg3[%run_scoped3A, %mul3A_2] : memref<4x204800xi32, #tpu.memory_space<hbm>> -> memref<1x6400xi32, #tpu.memory_space<hbm>>
      %dma_wait3A_445 = tpu.memref_squeeze %dma_wait3A_444 : memref<1x6400xi32, #tpu.memory_space<hbm>> -> memref<6400xi32, #tpu.memory_space<hbm>>
      tpu.wait_dma2 semaphore(%run_scoped3A_425 : memref<!tpu.dma_semaphore, #tpu.memory_space<semaphore_mem>>) src(%dma_wait3A_445 : memref<6400xi32, #tpu.memory_space<hbm>>) dst(%dma_wait3A_443 : memref<6400xi32, #tpu.memory_space<vmem>>)
      tpu.yield
    }) : () -> ()
    %run_scoped3A_8 = arith.constant 1 : i32
    %run_scoped3A_9 = arith.constant 1 : i32
    "tpu.region"() ({
      %run_scoped3A_425 = tpu.sem_alloc : memref<!tpu.dma_semaphore, #tpu.memory_space<semaphore_mem>>
      %dma_start3A_426 = arith.constant 0 : i32
      %dma_start3A_427 = tpu.memref_slice %arg6[%run_scoped3A_9, %dma_start3A_426] : memref<4x6400xi32, #tpu.memory_space<vmem>> -> memref<1x6400xi32, #tpu.memory_space<vmem>>
      %dma_start3A_428 = tpu.memref_squeeze %dma_start3A_427 : memref<1x6400xi32, #tpu.memory_space<vmem>> -> memref<6400xi32, #tpu.memory_space<vmem>>
      %dma_start3A_429 = tpu.memref_slice %arg3[%run_scoped3A_8, %mul3A_2] : memref<4x204800xi32, #tpu.memory_space<hbm>> -> memref<1x6400xi32, #tpu.memory_space<hbm>>
      %dma_start3A_430 = tpu.memref_squeeze %dma_start3A_429 : memref<1x6400xi32, #tpu.memory_space<hbm>> -> memref<6400xi32, #tpu.memory_space<hbm>>
      %dma_start3A_431 = arith.constant 0 : i32
      %dma_start3A_432 = tpu.memref_slice %arg6[%run_scoped3A_9, %dma_start3A_431] : memref<4x6400xi32, #tpu.memory_space<vmem>> -> memref<1x6400xi32, #tpu.memory_space<vmem>>
      %dma_start3A_433 = tpu.memref_squeeze %dma_start3A_432 : memref<1x6400xi32, #tpu.memory_space<vmem>> -> memref<6400xi32, #tpu.memory_space<vmem>>
      %dma_start3A_434 = tpu.memref_slice %arg3[%run_scoped3A_8, %mul3A_2] : memref<4x204800xi32, #tpu.memory_space<hbm>> -> memref<1x6400xi32, #tpu.memory_space<hbm>>
      %dma_start3A_435 = tpu.memref_squeeze %dma_start3A_434 : memref<1x6400xi32, #tpu.memory_space<hbm>> -> memref<6400xi32, #tpu.memory_space<hbm>>
      tpu.enqueue_dma source(%dma_start3A_435 : memref<6400xi32, #tpu.memory_space<hbm>>) target(%dma_start3A_433 : memref<6400xi32, #tpu.memory_space<vmem>>) target_semaphore(%run_scoped3A_425 : memref<!tpu.dma_semaphore, #tpu.memory_space<semaphore_mem>>)
      %dma_wait3A_436 = arith.constant 0 : i32
      %dma_wait3A_437 = tpu.memref_slice %arg6[%run_scoped3A_9, %dma_wait3A_436] : memref<4x6400xi32, #tpu.memory_space<vmem>> -> memref<1x6400xi32, #tpu.memory_space<vmem>>
      %dma_wait3A_438 = tpu.memref_squeeze %dma_wait3A_437 : memref<1x6400xi32, #tpu.memory_space<vmem>> -> memref<6400xi32, #tpu.memory_space<vmem>>
      %dma_wait3A_439 = tpu.memref_slice %arg3[%run_scoped3A_8, %mul3A_2] : memref<4x204800xi32, #tpu.memory_space<hbm>> -> memref<1x6400xi32, #tpu.memory_space<hbm>>
      %dma_wait3A_440 = tpu.memref_squeeze %dma_wait3A_439 : memref<1x6400xi32, #tpu.memory_space<hbm>> -> memref<6400xi32, #tpu.memory_space<hbm>>
      %dma_wait3A_441 = arith.constant 0 : i32
      %dma_wait3A_442 = tpu.memref_slice %arg6[%run_scoped3A_9, %dma_wait3A_441] : memref<4x6400xi32, #tpu.memory_space<vmem>> -> memref<1x6400xi32, #tpu.memory_space<vmem>>
      %dma_wait3A_443 = tpu.memref_squeeze %dma_wait3A_442 : memref<1x6400xi32, #tpu.memory_space<vmem>> -> memref<6400xi32, #tpu.memory_space<vmem>>
      %dma_wait3A_444 = tpu.memref_slice %arg3[%run_scoped3A_8, %mul3A_2] : memref<4x204800xi32, #tpu.memory_space<hbm>> -> memref<1x6400xi32, #tpu.memory_space<hbm>>
      %dma_wait3A_445 = tpu.memref_squeeze %dma_wait3A_444 : memref<1x6400xi32, #tpu.memory_space<hbm>> -> memref<6400xi32, #tpu.memory_space<hbm>>
      tpu.wait_dma2 semaphore(%run_scoped3A_425 : memref<!tpu.dma_semaphore, #tpu.memory_space<semaphore_mem>>) src(%dma_wait3A_445 : memref<6400xi32, #tpu.memory_space<hbm>>) dst(%dma_wait3A_443 : memref<6400xi32, #tpu.memory_space<vmem>>)
      tpu.yield
    }) : () -> ()
    %run_scoped3A_10 = arith.constant 2 : i32
    %run_scoped3A_11 = arith.constant 2 : i32
    "tpu.region"() ({
      %run_scoped3A_425 = tpu.sem_alloc : memref<!tpu.dma_semaphore, #tpu.memory_space<semaphore_mem>>
      %dma_start3A_426 = arith.constant 0 : i32
      %dma_start3A_427 = tpu.memref_slice %arg6[%run_scoped3A_11, %dma_start3A_426] : memref<4x6400xi32, #tpu.memory_space<vmem>> -> memref<1x6400xi32, #tpu.memory_space<vmem>>
      %dma_start3A_428 = tpu.memref_squeeze %dma_start3A_427 : memref<1x6400xi32, #tpu.memory_space<vmem>> -> memref<6400xi32, #tpu.memory_space<vmem>>
      %dma_start3A_429 = tpu.memref_slice %arg3[%run_scoped3A_10, %mul3A_2] : memref<4x204800xi32, #tpu.memory_space<hbm>> -> memref<1x6400xi32, #tpu.memory_space<hbm>>
      %dma_start3A_430 = tpu.memref_squeeze %dma_start3A_429 : memref<1x6400xi32, #tpu.memory_space<hbm>> -> memref<6400xi32, #tpu.memory_space<hbm>>
      %dma_start3A_431 = arith.constant 0 : i32
      %dma_start3A_432 = tpu.memref_slice %arg6[%run_scoped3A_11, %dma_start3A_431] : memref<4x6400xi32, #tpu.memory_space<vmem>> -> memref<1x6400xi32, #tpu.memory_space<vmem>>
      %dma_start3A_433 = tpu.memref_squeeze %dma_start3A_432 : memref<1x6400xi32, #tpu.memory_space<vmem>> -> memref<6400xi32, #tpu.memory_space<vmem>>
      %dma_start3A_434 = tpu.memref_slice %arg3[%run_scoped3A_10, %mul3A_2] : memref<4x204800xi32, #tpu.memory_space<hbm>> -> memref<1x6400xi32, #tpu.memory_space<hbm>>
      %dma_start3A_435 = tpu.memref_squeeze %dma_start3A_434 : memref<1x6400xi32, #tpu.memory_space<hbm>> -> memref<6400xi32, #tpu.memory_space<hbm>>
      tpu.enqueue_dma source(%dma_start3A_435 : memref<6400xi32, #tpu.memory_space<hbm>>) target(%dma_start3A_433 : memref<6400xi32, #tpu.memory_space<vmem>>) target_semaphore(%run_scoped3A_425 : memref<!tpu.dma_semaphore, #tpu.memory_space<semaphore_mem>>)
      %dma_wait3A_436 = arith.constant 0 : i32
      %dma_wait3A_437 = tpu.memref_slice %arg6[%run_scoped3A_11, %dma_wait3A_436] : memref<4x6400xi32, #tpu.memory_space<vmem>> -> memref<1x6400xi32, #tpu.memory_space<vmem>>
      %dma_wait3A_438 = tpu.memref_squeeze %dma_wait3A_437 : memref<1x6400xi32, #tpu.memory_space<vmem>> -> memref<6400xi32, #tpu.memory_space<vmem>>
      %dma_wait3A_439 = tpu.memref_slice %arg3[%run_scoped3A_10, %mul3A_2] : memref<4x204800xi32, #tpu.memory_space<hbm>> -> memref<1x6400xi32, #tpu.memory_space<hbm>>
      %dma_wait3A_440 = tpu.memref_squeeze %dma_wait3A_439 : memref<1x6400xi32, #tpu.memory_space<hbm>> -> memref<6400xi32, #tpu.memory_space<hbm>>
      %dma_wait3A_441 = arith.constant 0 : i32
      %dma_wait3A_442 = tpu.memref_slice %arg6[%run_scoped3A_11, %dma_wait3A_441] : memref<4x6400xi32, #tpu.memory_space<vmem>> -> memref<1x6400xi32, #tpu.memory_space<vmem>>
      %dma_wait3A_443 = tpu.memref_squeeze %dma_wait3A_442 : memref<1x6400xi32, #tpu.memory_space<vmem>> -> memref<6400xi32, #tpu.memory_space<vmem>>
      %dma_wait3A_444 = tpu.memref_slice %arg3[%run_scoped3A_10, %mul3A_2] : memref<4x204800xi32, #tpu.memory_space<hbm>> -> memref<1x6400xi32, #tpu.memory_space<hbm>>
      %dma_wait3A_445 = tpu.memref_squeeze %dma_wait3A_444 : memref<1x6400xi32, #tpu.memory_space<hbm>> -> memref<6400xi32, #tpu.memory_space<hbm>>
      tpu.wait_dma2 semaphore(%run_scoped3A_425 : memref<!tpu.dma_semaphore, #tpu.memory_space<semaphore_mem>>) src(%dma_wait3A_445 : memref<6400xi32, #tpu.memory_space<hbm>>) dst(%dma_wait3A_443 : memref<6400xi32, #tpu.memory_space<vmem>>)
      tpu.yield
    }) : () -> ()
    %run_scoped3A_12 = arith.constant 3 : i32
    %run_scoped3A_13 = arith.constant 3 : i32
    "tpu.region"() ({
      %run_scoped3A_425 = tpu.sem_alloc : memref<!tpu.dma_semaphore, #tpu.memory_space<semaphore_mem>>
      %dma_start3A_426 = arith.constant 0 : i32
      %dma_start3A_427 = tpu.memref_slice %arg6[%run_scoped3A_13, %dma_start3A_426] : memref<4x6400xi32, #tpu.memory_space<vmem>> -> memref<1x6400xi32, #tpu.memory_space<vmem>>
      %dma_start3A_428 = tpu.memref_squeeze %dma_start3A_427 : memref<1x6400xi32, #tpu.memory_space<vmem>> -> memref<6400xi32, #tpu.memory_space<vmem>>
      %dma_start3A_429 = tpu.memref_slice %arg3[%run_scoped3A_12, %mul3A_2] : memref<4x204800xi32, #tpu.memory_space<hbm>> -> memref<1x6400xi32, #tpu.memory_space<hbm>>
      %dma_start3A_430 = tpu.memref_squeeze %dma_start3A_429 : memref<1x6400xi32, #tpu.memory_space<hbm>> -> memref<6400xi32, #tpu.memory_space<hbm>>
      %dma_start3A_431 = arith.constant 0 : i32
      %dma_start3A_432 = tpu.memref_slice %arg6[%run_scoped3A_13, %dma_start3A_431] : memref<4x6400xi32, #tpu.memory_space<vmem>> -> memref<1x6400xi32, #tpu.memory_space<vmem>>
      %dma_start3A_433 = tpu.memref_squeeze %dma_start3A_432 : memref<1x6400xi32, #tpu.memory_space<vmem>> -> memref<6400xi32, #tpu.memory_space<vmem>>
      %dma_start3A_434 = tpu.memref_slice %arg3[%run_scoped3A_12, %mul3A_2] : memref<4x204800xi32, #tpu.memory_space<hbm>> -> memref<1x6400xi32, #tpu.memory_space<hbm>>
      %dma_start3A_435 = tpu.memref_squeeze %dma_start3A_434 : memref<1x6400xi32, #tpu.memory_space<hbm>> -> memref<6400xi32, #tpu.memory_space<hbm>>
      tpu.enqueue_dma source(%dma_start3A_435 : memref<6400xi32, #tpu.memory_space<hbm>>) target(%dma_start3A_433 : memref<6400xi32, #tpu.memory_space<vmem>>) target_semaphore(%run_scoped3A_425 : memref<!tpu.dma_semaphore, #tpu.memory_space<semaphore_mem>>)
      %dma_wait3A_436 = arith.constant 0 : i32
      %dma_wait3A_437 = tpu.memref_slice %arg6[%run_scoped3A_13, %dma_wait3A_436] : memref<4x6400xi32, #tpu.memory_space<vmem>> -> memref<1x6400xi32, #tpu.memory_space<vmem>>
      %dma_wait3A_438 = tpu.memref_squeeze %dma_wait3A_437 : memref<1x6400xi32, #tpu.memory_space<vmem>> -> memref<6400xi32, #tpu.memory_space<vmem>>
      %dma_wait3A_439 = tpu.memref_slice %arg3[%run_scoped3A_12, %mul3A_2] : memref<4x204800xi32, #tpu.memory_space<hbm>> -> memref<1x6400xi32, #tpu.memory_space<hbm>>
      %dma_wait3A_440 = tpu.memref_squeeze %dma_wait3A_439 : memref<1x6400xi32, #tpu.memory_space<hbm>> -> memref<6400xi32, #tpu.memory_space<hbm>>
      %dma_wait3A_441 = arith.constant 0 : i32
      %dma_wait3A_442 = tpu.memref_slice %arg6[%run_scoped3A_13, %dma_wait3A_441] : memref<4x6400xi32, #tpu.memory_space<vmem>> -> memref<1x6400xi32, #tpu.memory_space<vmem>>
      %dma_wait3A_443 = tpu.memref_squeeze %dma_wait3A_442 : memref<1x6400xi32, #tpu.memory_space<vmem>> -> memref<6400xi32, #tpu.memory_space<vmem>>
      %dma_wait3A_444 = tpu.memref_slice %arg3[%run_scoped3A_12, %mul3A_2] : memref<4x204800xi32, #tpu.memory_space<hbm>> -> memref<1x6400xi32, #tpu.memory_space<hbm>>
      %dma_wait3A_445 = tpu.memref_squeeze %dma_wait3A_444 : memref<1x6400xi32, #tpu.memory_space<hbm>> -> memref<6400xi32, #tpu.memory_space<hbm>>
      tpu.wait_dma2 semaphore(%run_scoped3A_425 : memref<!tpu.dma_semaphore, #tpu.memory_space<semaphore_mem>>) src(%dma_wait3A_445 : memref<6400xi32, #tpu.memory_space<hbm>>) dst(%dma_wait3A_443 : memref<6400xi32, #tpu.memory_space<vmem>>)
      tpu.yield
    }) : () -> ()
    %barrier3A = arith.constant 0 : index
    tpu.barrier barrier_id(%barrier3A)
    %dma_start3A = arith.constant 0 : i32
    %dma_start3A_14 = arith.constant 0 : i32
    %dma_start3A_15 = tpu.memref_slice %arg6[%dma_start3A, %dma_start3A_14] : memref<4x6400xi32, #tpu.memory_space<vmem>> -> memref<1x128xi32, #tpu.memory_space<vmem>>
    %dma_start3A_16 = tpu.memref_squeeze %dma_start3A_15 : memref<1x128xi32, #tpu.memory_space<vmem>> -> memref<128xi32, #tpu.memory_space<vmem>>
    %dma_start3A_17 = arith.constant 0 : i32
    %dma_start3A_18 = arith.constant 0 : i32
    %dma_start3A_19 = tpu.memref_slice %arg5[%dma_start3A_17, %dma_start3A_18] : memref<4096x128xf32, #tpu.memory_space<vmem_shared>> -> memref<4096x128xf32, #tpu.memory_space<vmem_shared>>
    tpu.enqueue_indirect_dma source(%dma_start3A_19 : memref<4096x128xf32, #tpu.memory_space<vmem_shared>>) target(%arg7 : memref<128x128xf32, #tpu.memory_space<vmem>>) offsets(%dma_start3A_16 : memref<128xi32, #tpu.memory_space<vmem>>) semaphore(%arg11 : memref<!tpu.dma_semaphore, #tpu.memory_space<semaphore_mem>>)
    %dma_start3A_20 = arith.constant 0 : i32
    %dma_start3A_21 = arith.constant 128 : i32
    %dma_start3A_22 = tpu.memref_slice %arg6[%dma_start3A_20, %dma_start3A_21] : memref<4x6400xi32, #tpu.memory_space<vmem>> -> memref<1x128xi32, #tpu.memory_space<vmem>>
    %dma_start3A_23 = tpu.memref_squeeze %dma_start3A_22 : memref<1x128xi32, #tpu.memory_space<vmem>> -> memref<128xi32, #tpu.memory_space<vmem>>
    %dma_start3A_24 = arith.constant 0 : i32
    %dma_start3A_25 = arith.constant 0 : i32
    %dma_start3A_26 = tpu.memref_slice %arg5[%dma_start3A_24, %dma_start3A_25] : memref<4096x128xf32, #tpu.memory_space<vmem_shared>> -> memref<4096x128xf32, #tpu.memory_space<vmem_shared>>
    tpu.enqueue_indirect_dma source(%dma_start3A_26 : memref<4096x128xf32, #tpu.memory_space<vmem_shared>>) target(%arg8 : memref<128x128xf32, #tpu.memory_space<vmem>>) offsets(%dma_start3A_23 : memref<128xi32, #tpu.memory_space<vmem>>) semaphore(%arg12 : memref<!tpu.dma_semaphore, #tpu.memory_space<semaphore_mem>>)
    %dma_wait3A = arith.constant 0 : i32
    %dma_wait3A_27 = arith.constant 0 : i32
    %dma_wait3A_28 = tpu.memref_slice %arg6[%dma_wait3A, %dma_wait3A_27] : memref<4x6400xi32, #tpu.memory_space<vmem>> -> memref<1x128xi32, #tpu.memory_space<vmem>>
    %dma_wait3A_29 = tpu.memref_squeeze %dma_wait3A_28 : memref<1x128xi32, #tpu.memory_space<vmem>> -> memref<128xi32, #tpu.memory_space<vmem>>
    %dma_wait3A_30 = arith.constant 0 : i32
    %dma_wait3A_31 = arith.constant 0 : i32
    %dma_wait3A_32 = tpu.memref_slice %arg5[%dma_wait3A_30, %dma_wait3A_31] : memref<4096x128xf32, #tpu.memory_space<vmem_shared>> -> memref<4096x128xf32, #tpu.memory_space<vmem_shared>>
    tpu.wait_indirect_dma semaphore(%arg11 : memref<!tpu.dma_semaphore, #tpu.memory_space<semaphore_mem>>) src(%dma_wait3A_32 : memref<4096x128xf32, #tpu.memory_space<vmem_shared>>) dst(%arg7 : memref<128x128xf32, #tpu.memory_space<vmem>>)
    %dma_start3A_33 = arith.constant 1 : i32
    %dma_start3A_34 = arith.constant 0 : i32
    %dma_start3A_35 = tpu.memref_slice %arg6[%dma_start3A_33, %dma_start3A_34] : memref<4x6400xi32, #tpu.memory_space<vmem>> -> memref<1x128xi32, #tpu.memory_space<vmem>>
    %dma_start3A_36 = tpu.memref_squeeze %dma_start3A_35 : memref<1x128xi32, #tpu.memory_space<vmem>> -> memref<128xi32, #tpu.memory_space<vmem>>
    %dma_start3A_37 = arith.constant 0 : i32
    %dma_start3A_38 = arith.constant 0 : i32
    %dma_start3A_39 = tpu.memref_slice %arg5[%dma_start3A_37, %dma_start3A_38] : memref<4096x128xf32, #tpu.memory_space<vmem_shared>> -> memref<4096x128xf32, #tpu.memory_space<vmem_shared>>
    tpu.enqueue_indirect_dma source(%dma_start3A_39 : memref<4096x128xf32, #tpu.memory_space<vmem_shared>>) target(%arg7 : memref<128x128xf32, #tpu.memory_space<vmem>>) offsets(%dma_start3A_36 : memref<128xi32, #tpu.memory_space<vmem>>) semaphore(%arg15 : memref<!tpu.dma_semaphore, #tpu.memory_space<semaphore_mem>>) {add = true}
    %dma_start3A_40 = arith.constant 2 : i32
    %dma_start3A_41 = arith.constant 0 : i32
    %dma_start3A_42 = tpu.memref_slice %arg6[%dma_start3A_40, %dma_start3A_41] : memref<4x6400xi32, #tpu.memory_space<vmem>> -> memref<1x128xi32, #tpu.memory_space<vmem>>
    %dma_start3A_43 = tpu.memref_squeeze %dma_start3A_42 : memref<1x128xi32, #tpu.memory_space<vmem>> -> memref<128xi32, #tpu.memory_space<vmem>>
    %dma_start3A_44 = arith.constant 0 : i32
    %dma_start3A_45 = arith.constant 0 : i32
    %dma_start3A_46 = tpu.memref_slice %arg5[%dma_start3A_44, %dma_start3A_45] : memref<4096x128xf32, #tpu.memory_space<vmem_shared>> -> memref<4096x128xf32, #tpu.memory_space<vmem_shared>>
    tpu.enqueue_indirect_dma source(%dma_start3A_46 : memref<4096x128xf32, #tpu.memory_space<vmem_shared>>) target(%arg7 : memref<128x128xf32, #tpu.memory_space<vmem>>) offsets(%dma_start3A_43 : memref<128xi32, #tpu.memory_space<vmem>>) semaphore(%arg15 : memref<!tpu.dma_semaphore, #tpu.memory_space<semaphore_mem>>) {add = true}
    %dma_start3A_47 = arith.constant 3 : i32
    %dma_start3A_48 = arith.constant 0 : i32
    %dma_start3A_49 = tpu.memref_slice %arg6[%dma_start3A_47, %dma_start3A_48] : memref<4x6400xi32, #tpu.memory_space<vmem>> -> memref<1x128xi32, #tpu.memory_space<vmem>>
    %dma_start3A_50 = tpu.memref_squeeze %dma_start3A_49 : memref<1x128xi32, #tpu.memory_space<vmem>> -> memref<128xi32, #tpu.memory_space<vmem>>
    %dma_start3A_51 = arith.constant 0 : i32
    %dma_start3A_52 = arith.constant 0 : i32
    %dma_start3A_53 = tpu.memref_slice %arg2[%dma_start3A_51, %dma_start3A_52] : memref<4096x128xf32, #tpu.memory_space<hbm>> -> memref<4096x128xf32, #tpu.memory_space<hbm>>
    tpu.enqueue_indirect_dma source(%dma_start3A_53 : memref<4096x128xf32, #tpu.memory_space<hbm>>) target(%arg7 : memref<128x128xf32, #tpu.memory_space<vmem>>) offsets(%dma_start3A_50 : memref<128xi32, #tpu.memory_space<vmem>>) semaphore(%arg23 : memref<!tpu.dma_semaphore, #tpu.memory_space<semaphore_mem>>) {add = true}
    %dma_wait3A_54 = arith.constant 1 : i32
    %dma_wait3A_55 = arith.constant 0 : i32
    %dma_wait3A_56 = tpu.memref_slice %arg6[%dma_wait3A_54, %dma_wait3A_55] : memref<4x6400xi32, #tpu.memory_space<vmem>> -> memref<1x128xi32, #tpu.memory_space<vmem>>
    %dma_wait3A_57 = tpu.memref_squeeze %dma_wait3A_56 : memref<1x128xi32, #tpu.memory_space<vmem>> -> memref<128xi32, #tpu.memory_space<vmem>>
    %dma_wait3A_58 = arith.constant 0 : i32
    %dma_wait3A_59 = arith.constant 0 : i32
    %dma_wait3A_60 = tpu.memref_slice %arg5[%dma_wait3A_58, %dma_wait3A_59] : memref<4096x128xf32, #tpu.memory_space<vmem_shared>> -> memref<4096x128xf32, #tpu.memory_space<vmem_shared>>
    tpu.wait_indirect_dma semaphore(%arg15 : memref<!tpu.dma_semaphore, #tpu.memory_space<semaphore_mem>>) src(%dma_wait3A_60 : memref<4096x128xf32, #tpu.memory_space<vmem_shared>>) dst(%arg7 : memref<128x128xf32, #tpu.memory_space<vmem>>)
    %dma_wait3A_61 = arith.constant 2 : i32
    %dma_wait3A_62 = arith.constant 0 : i32
    %dma_wait3A_63 = tpu.memref_slice %arg6[%dma_wait3A_61, %dma_wait3A_62] : memref<4x6400xi32, #tpu.memory_space<vmem>> -> memref<1x128xi32, #tpu.memory_space<vmem>>
    %dma_wait3A_64 = tpu.memref_squeeze %dma_wait3A_63 : memref<1x128xi32, #tpu.memory_space<vmem>> -> memref<128xi32, #tpu.memory_space<vmem>>
    %dma_wait3A_65 = arith.constant 0 : i32
    %dma_wait3A_66 = arith.constant 0 : i32
    %dma_wait3A_67 = tpu.memref_slice %arg5[%dma_wait3A_65, %dma_wait3A_66] : memref<4096x128xf32, #tpu.memory_space<vmem_shared>> -> memref<4096x128xf32, #tpu.memory_space<vmem_shared>>
    tpu.wait_indirect_dma semaphore(%arg15 : memref<!tpu.dma_semaphore, #tpu.memory_space<semaphore_mem>>) src(%dma_wait3A_67 : memref<4096x128xf32, #tpu.memory_space<vmem_shared>>) dst(%arg7 : memref<128x128xf32, #tpu.memory_space<vmem>>)
    %dma_wait3A_68 = arith.constant 3 : i32
    %dma_wait3A_69 = arith.constant 0 : i32
    %dma_wait3A_70 = tpu.memref_slice %arg6[%dma_wait3A_68, %dma_wait3A_69] : memref<4x6400xi32, #tpu.memory_space<vmem>> -> memref<1x128xi32, #tpu.memory_space<vmem>>
    %dma_wait3A_71 = tpu.memref_squeeze %dma_wait3A_70 : memref<1x128xi32, #tpu.memory_space<vmem>> -> memref<128xi32, #tpu.memory_space<vmem>>
    %dma_wait3A_72 = arith.constant 0 : i32
    %dma_wait3A_73 = arith.constant 0 : i32
    %dma_wait3A_74 = tpu.memref_slice %arg2[%dma_wait3A_72, %dma_wait3A_73] : memref<4096x128xf32, #tpu.memory_space<hbm>> -> memref<4096x128xf32, #tpu.memory_space<hbm>>
    tpu.wait_indirect_dma semaphore(%arg23 : memref<!tpu.dma_semaphore, #tpu.memory_space<semaphore_mem>>) src(%dma_wait3A_74 : memref<4096x128xf32, #tpu.memory_space<hbm>>) dst(%arg7 : memref<128x128xf32, #tpu.memory_space<vmem>>)
    %add3A_75 = arith.constant 0 : i32
    %add3A_76 = arith.addi %mul3A_2, %add3A_75 : i32
    %dma_start3A_77 = arith.constant 0 : i32
    %dma_start3A_78 = tpu.memref_slice %arg4[%add3A_76, %dma_start3A_77] : memref<204800x128xf32, #tpu.memory_space<hbm>> -> memref<128x128xf32, #tpu.memory_space<hbm>>
    %dma_start3A_79 = arith.constant 0 : i32
    %dma_start3A_80 = tpu.memref_slice %arg4[%add3A_76, %dma_start3A_79] : memref<204800x128xf32, #tpu.memory_space<hbm>> -> memref<128x128xf32, #tpu.memory_space<hbm>>
    tpu.enqueue_dma source(%arg7 : memref<128x128xf32, #tpu.memory_space<vmem>>) target(%dma_start3A_80 : memref<128x128xf32, #tpu.memory_space<hbm>>) target_semaphore(%arg19 : memref<!tpu.dma_semaphore, #tpu.memory_space<semaphore_mem>>)
    %dma_start3A_81 = arith.constant 0 : i32
    %dma_start3A_82 = arith.constant 256 : i32
    %dma_start3A_83 = tpu.memref_slice %arg6[%dma_start3A_81, %dma_start3A_82] : memref<4x6400xi32, #tpu.memory_space<vmem>> -> memref<1x128xi32, #tpu.memory_space<vmem>>
    %dma_start3A_84 = tpu.memref_squeeze %dma_start3A_83 : memref<1x128xi32, #tpu.memory_space<vmem>> -> memref<128xi32, #tpu.memory_space<vmem>>
    %dma_start3A_85 = arith.constant 0 : i32
    %dma_start3A_86 = arith.constant 0 : i32
    %dma_start3A_87 = tpu.memref_slice %arg5[%dma_start3A_85, %dma_start3A_86] : memref<4096x128xf32, #tpu.memory_space<vmem_shared>> -> memref<4096x128xf32, #tpu.memory_space<vmem_shared>>
    tpu.enqueue_indirect_dma source(%dma_start3A_87 : memref<4096x128xf32, #tpu.memory_space<vmem_shared>>) target(%arg9 : memref<128x128xf32, #tpu.memory_space<vmem>>) offsets(%dma_start3A_84 : memref<128xi32, #tpu.memory_space<vmem>>) semaphore(%arg13 : memref<!tpu.dma_semaphore, #tpu.memory_space<semaphore_mem>>)
    %dma_wait3A_88 = arith.constant 0 : i32
    %dma_wait3A_89 = arith.constant 128 : i32
    %dma_wait3A_90 = tpu.memref_slice %arg6[%dma_wait3A_88, %dma_wait3A_89] : memref<4x6400xi32, #tpu.memory_space<vmem>> -> memref<1x128xi32, #tpu.memory_space<vmem>>
    %dma_wait3A_91 = tpu.memref_squeeze %dma_wait3A_90 : memref<1x128xi32, #tpu.memory_space<vmem>> -> memref<128xi32, #tpu.memory_space<vmem>>
    %dma_wait3A_92 = arith.constant 0 : i32
    %dma_wait3A_93 = arith.constant 0 : i32
    %dma_wait3A_94 = tpu.memref_slice %arg5[%dma_wait3A_92, %dma_wait3A_93] : memref<4096x128xf32, #tpu.memory_space<vmem_shared>> -> memref<4096x128xf32, #tpu.memory_space<vmem_shared>>
    tpu.wait_indirect_dma semaphore(%arg12 : memref<!tpu.dma_semaphore, #tpu.memory_space<semaphore_mem>>) src(%dma_wait3A_94 : memref<4096x128xf32, #tpu.memory_space<vmem_shared>>) dst(%arg8 : memref<128x128xf32, #tpu.memory_space<vmem>>)
    %dma_start3A_95 = arith.constant 1 : i32
    %dma_start3A_96 = arith.constant 128 : i32
    %dma_start3A_97 = tpu.memref_slice %arg6[%dma_start3A_95, %dma_start3A_96] : memref<4x6400xi32, #tpu.memory_space<vmem>> -> memref<1x128xi32, #tpu.memory_space<vmem>>
    %dma_start3A_98 = tpu.memref_squeeze %dma_start3A_97 : memref<1x128xi32, #tpu.memory_space<vmem>> -> memref<128xi32, #tpu.memory_space<vmem>>
    %dma_start3A_99 = arith.constant 0 : i32
    %dma_start3A_100 = arith.constant 0 : i32
    %dma_start3A_101 = tpu.memref_slice %arg5[%dma_start3A_99, %dma_start3A_100] : memref<4096x128xf32, #tpu.memory_space<vmem_shared>> -> memref<4096x128xf32, #tpu.memory_space<vmem_shared>>
    tpu.enqueue_indirect_dma source(%dma_start3A_101 : memref<4096x128xf32, #tpu.memory_space<vmem_shared>>) target(%arg8 : memref<128x128xf32, #tpu.memory_space<vmem>>) offsets(%dma_start3A_98 : memref<128xi32, #tpu.memory_space<vmem>>) semaphore(%arg16 : memref<!tpu.dma_semaphore, #tpu.memory_space<semaphore_mem>>) {add = true}
    %dma_start3A_102 = arith.constant 2 : i32
    %dma_start3A_103 = arith.constant 128 : i32
    %dma_start3A_104 = tpu.memref_slice %arg6[%dma_start3A_102, %dma_start3A_103] : memref<4x6400xi32, #tpu.memory_space<vmem>> -> memref<1x128xi32, #tpu.memory_space<vmem>>
    %dma_start3A_105 = tpu.memref_squeeze %dma_start3A_104 : memref<1x128xi32, #tpu.memory_space<vmem>> -> memref<128xi32, #tpu.memory_space<vmem>>
    %dma_start3A_106 = arith.constant 0 : i32
    %dma_start3A_107 = arith.constant 0 : i32
    %dma_start3A_108 = tpu.memref_slice %arg5[%dma_start3A_106, %dma_start3A_107] : memref<4096x128xf32, #tpu.memory_space<vmem_shared>> -> memref<4096x128xf32, #tpu.memory_space<vmem_shared>>
    tpu.enqueue_indirect_dma source(%dma_start3A_108 : memref<4096x128xf32, #tpu.memory_space<vmem_shared>>) target(%arg8 : memref<128x128xf32, #tpu.memory_space<vmem>>) offsets(%dma_start3A_105 : memref<128xi32, #tpu.memory_space<vmem>>) semaphore(%arg16 : memref<!tpu.dma_semaphore, #tpu.memory_space<semaphore_mem>>) {add = true}
    %dma_start3A_109 = arith.constant 3 : i32
    %dma_start3A_110 = arith.constant 128 : i32
    %dma_start3A_111 = tpu.memref_slice %arg6[%dma_start3A_109, %dma_start3A_110] : memref<4x6400xi32, #tpu.memory_space<vmem>> -> memref<1x128xi32, #tpu.memory_space<vmem>>
    %dma_start3A_112 = tpu.memref_squeeze %dma_start3A_111 : memref<1x128xi32, #tpu.memory_space<vmem>> -> memref<128xi32, #tpu.memory_space<vmem>>
    %dma_start3A_113 = arith.constant 0 : i32
    %dma_start3A_114 = arith.constant 0 : i32
    %dma_start3A_115 = tpu.memref_slice %arg2[%dma_start3A_113, %dma_start3A_114] : memref<4096x128xf32, #tpu.memory_space<hbm>> -> memref<4096x128xf32, #tpu.memory_space<hbm>>
    tpu.enqueue_indirect_dma source(%dma_start3A_115 : memref<4096x128xf32, #tpu.memory_space<hbm>>) target(%arg8 : memref<128x128xf32, #tpu.memory_space<vmem>>) offsets(%dma_start3A_112 : memref<128xi32, #tpu.memory_space<vmem>>) semaphore(%arg24 : memref<!tpu.dma_semaphore, #tpu.memory_space<semaphore_mem>>) {add = true}
    %dma_wait3A_116 = arith.constant 1 : i32
    %dma_wait3A_117 = arith.constant 128 : i32
    %dma_wait3A_118 = tpu.memref_slice %arg6[%dma_wait3A_116, %dma_wait3A_117] : memref<4x6400xi32, #tpu.memory_space<vmem>> -> memref<1x128xi32, #tpu.memory_space<vmem>>
    %dma_wait3A_119 = tpu.memref_squeeze %dma_wait3A_118 : memref<1x128xi32, #tpu.memory_space<vmem>> -> memref<128xi32, #tpu.memory_space<vmem>>
    %dma_wait3A_120 = arith.constant 0 : i32
    %dma_wait3A_121 = arith.constant 0 : i32
    %dma_wait3A_122 = tpu.memref_slice %arg5[%dma_wait3A_120, %dma_wait3A_121] : memref<4096x128xf32, #tpu.memory_space<vmem_shared>> -> memref<4096x128xf32, #tpu.memory_space<vmem_shared>>
    tpu.wait_indirect_dma semaphore(%arg16 : memref<!tpu.dma_semaphore, #tpu.memory_space<semaphore_mem>>) src(%dma_wait3A_122 : memref<4096x128xf32, #tpu.memory_space<vmem_shared>>) dst(%arg8 : memref<128x128xf32, #tpu.memory_space<vmem>>)
    %dma_wait3A_123 = arith.constant 2 : i32
    %dma_wait3A_124 = arith.constant 128 : i32
    %dma_wait3A_125 = tpu.memref_slice %arg6[%dma_wait3A_123, %dma_wait3A_124] : memref<4x6400xi32, #tpu.memory_space<vmem>> -> memref<1x128xi32, #tpu.memory_space<vmem>>
    %dma_wait3A_126 = tpu.memref_squeeze %dma_wait3A_125 : memref<1x128xi32, #tpu.memory_space<vmem>> -> memref<128xi32, #tpu.memory_space<vmem>>
    %dma_wait3A_127 = arith.constant 0 : i32
    %dma_wait3A_128 = arith.constant 0 : i32
    %dma_wait3A_129 = tpu.memref_slice %arg5[%dma_wait3A_127, %dma_wait3A_128] : memref<4096x128xf32, #tpu.memory_space<vmem_shared>> -> memref<4096x128xf32, #tpu.memory_space<vmem_shared>>
    tpu.wait_indirect_dma semaphore(%arg16 : memref<!tpu.dma_semaphore, #tpu.memory_space<semaphore_mem>>) src(%dma_wait3A_129 : memref<4096x128xf32, #tpu.memory_space<vmem_shared>>) dst(%arg8 : memref<128x128xf32, #tpu.memory_space<vmem>>)
    %dma_wait3A_130 = arith.constant 3 : i32
    %dma_wait3A_131 = arith.constant 128 : i32
    %dma_wait3A_132 = tpu.memref_slice %arg6[%dma_wait3A_130, %dma_wait3A_131] : memref<4x6400xi32, #tpu.memory_space<vmem>> -> memref<1x128xi32, #tpu.memory_space<vmem>>
    %dma_wait3A_133 = tpu.memref_squeeze %dma_wait3A_132 : memref<1x128xi32, #tpu.memory_space<vmem>> -> memref<128xi32, #tpu.memory_space<vmem>>
    %dma_wait3A_134 = arith.constant 0 : i32
    %dma_wait3A_135 = arith.constant 0 : i32
    %dma_wait3A_136 = tpu.memref_slice %arg2[%dma_wait3A_134, %dma_wait3A_135] : memref<4096x128xf32, #tpu.memory_space<hbm>> -> memref<4096x128xf32, #tpu.memory_space<hbm>>
    tpu.wait_indirect_dma semaphore(%arg24 : memref<!tpu.dma_semaphore, #tpu.memory_space<semaphore_mem>>) src(%dma_wait3A_136 : memref<4096x128xf32, #tpu.memory_space<hbm>>) dst(%arg8 : memref<128x128xf32, #tpu.memory_space<vmem>>)
    %add3A_137 = arith.constant 128 : i32
    %add3A_138 = arith.addi %mul3A_2, %add3A_137 : i32
    %dma_start3A_139 = arith.constant 0 : i32
    %dma_start3A_140 = tpu.memref_slice %arg4[%add3A_138, %dma_start3A_139] : memref<204800x128xf32, #tpu.memory_space<hbm>> -> memref<128x128xf32, #tpu.memory_space<hbm>>
    %dma_start3A_141 = arith.constant 0 : i32
    %dma_start3A_142 = tpu.memref_slice %arg4[%add3A_138, %dma_start3A_141] : memref<204800x128xf32, #tpu.memory_space<hbm>> -> memref<128x128xf32, #tpu.memory_space<hbm>>
    tpu.enqueue_dma source(%arg8 : memref<128x128xf32, #tpu.memory_space<vmem>>) target(%dma_start3A_142 : memref<128x128xf32, #tpu.memory_space<hbm>>) target_semaphore(%arg20 : memref<!tpu.dma_semaphore, #tpu.memory_space<semaphore_mem>>)
    %dma_start3A_143 = arith.constant 0 : i32
    %dma_start3A_144 = arith.constant 384 : i32
    %dma_start3A_145 = tpu.memref_slice %arg6[%dma_start3A_143, %dma_start3A_144] : memref<4x6400xi32, #tpu.memory_space<vmem>> -> memref<1x128xi32, #tpu.memory_space<vmem>>
    %dma_start3A_146 = tpu.memref_squeeze %dma_start3A_145 : memref<1x128xi32, #tpu.memory_space<vmem>> -> memref<128xi32, #tpu.memory_space<vmem>>
    %dma_start3A_147 = arith.constant 0 : i32
    %dma_start3A_148 = arith.constant 0 : i32
    %dma_start3A_149 = tpu.memref_slice %arg5[%dma_start3A_147, %dma_start3A_148] : memref<4096x128xf32, #tpu.memory_space<vmem_shared>> -> memref<4096x128xf32, #tpu.memory_space<vmem_shared>>
    tpu.enqueue_indirect_dma source(%dma_start3A_149 : memref<4096x128xf32, #tpu.memory_space<vmem_shared>>) target(%arg10 : memref<128x128xf32, #tpu.memory_space<vmem>>) offsets(%dma_start3A_146 : memref<128xi32, #tpu.memory_space<vmem>>) semaphore(%arg14 : memref<!tpu.dma_semaphore, #tpu.memory_space<semaphore_mem>>)
    %dma_wait3A_150 = arith.constant 0 : i32
    %dma_wait3A_151 = arith.constant 256 : i32
    %dma_wait3A_152 = tpu.memref_slice %arg6[%dma_wait3A_150, %dma_wait3A_151] : memref<4x6400xi32, #tpu.memory_space<vmem>> -> memref<1x128xi32, #tpu.memory_space<vmem>>
    %dma_wait3A_153 = tpu.memref_squeeze %dma_wait3A_152 : memref<1x128xi32, #tpu.memory_space<vmem>> -> memref<128xi32, #tpu.memory_space<vmem>>
    %dma_wait3A_154 = arith.constant 0 : i32
    %dma_wait3A_155 = arith.constant 0 : i32
    %dma_wait3A_156 = tpu.memref_slice %arg5[%dma_wait3A_154, %dma_wait3A_155] : memref<4096x128xf32, #tpu.memory_space<vmem_shared>> -> memref<4096x128xf32, #tpu.memory_space<vmem_shared>>
    tpu.wait_indirect_dma semaphore(%arg13 : memref<!tpu.dma_semaphore, #tpu.memory_space<semaphore_mem>>) src(%dma_wait3A_156 : memref<4096x128xf32, #tpu.memory_space<vmem_shared>>) dst(%arg9 : memref<128x128xf32, #tpu.memory_space<vmem>>)
    %dma_start3A_157 = arith.constant 1 : i32
    %dma_start3A_158 = arith.constant 256 : i32
    %dma_start3A_159 = tpu.memref_slice %arg6[%dma_start3A_157, %dma_start3A_158] : memref<4x6400xi32, #tpu.memory_space<vmem>> -> memref<1x128xi32, #tpu.memory_space<vmem>>
    %dma_start3A_160 = tpu.memref_squeeze %dma_start3A_159 : memref<1x128xi32, #tpu.memory_space<vmem>> -> memref<128xi32, #tpu.memory_space<vmem>>
    %dma_start3A_161 = arith.constant 0 : i32
    %dma_start3A_162 = arith.constant 0 : i32
    %dma_start3A_163 = tpu.memref_slice %arg5[%dma_start3A_161, %dma_start3A_162] : memref<4096x128xf32, #tpu.memory_space<vmem_shared>> -> memref<4096x128xf32, #tpu.memory_space<vmem_shared>>
    tpu.enqueue_indirect_dma source(%dma_start3A_163 : memref<4096x128xf32, #tpu.memory_space<vmem_shared>>) target(%arg9 : memref<128x128xf32, #tpu.memory_space<vmem>>) offsets(%dma_start3A_160 : memref<128xi32, #tpu.memory_space<vmem>>) semaphore(%arg17 : memref<!tpu.dma_semaphore, #tpu.memory_space<semaphore_mem>>) {add = true}
    %dma_start3A_164 = arith.constant 2 : i32
    %dma_start3A_165 = arith.constant 256 : i32
    %dma_start3A_166 = tpu.memref_slice %arg6[%dma_start3A_164, %dma_start3A_165] : memref<4x6400xi32, #tpu.memory_space<vmem>> -> memref<1x128xi32, #tpu.memory_space<vmem>>
    %dma_start3A_167 = tpu.memref_squeeze %dma_start3A_166 : memref<1x128xi32, #tpu.memory_space<vmem>> -> memref<128xi32, #tpu.memory_space<vmem>>
    %dma_start3A_168 = arith.constant 0 : i32
    %dma_start3A_169 = arith.constant 0 : i32
    %dma_start3A_170 = tpu.memref_slice %arg5[%dma_start3A_168, %dma_start3A_169] : memref<4096x128xf32, #tpu.memory_space<vmem_shared>> -> memref<4096x128xf32, #tpu.memory_space<vmem_shared>>
    tpu.enqueue_indirect_dma source(%dma_start3A_170 : memref<4096x128xf32, #tpu.memory_space<vmem_shared>>) target(%arg9 : memref<128x128xf32, #tpu.memory_space<vmem>>) offsets(%dma_start3A_167 : memref<128xi32, #tpu.memory_space<vmem>>) semaphore(%arg17 : memref<!tpu.dma_semaphore, #tpu.memory_space<semaphore_mem>>) {add = true}
    %dma_start3A_171 = arith.constant 3 : i32
    %dma_start3A_172 = arith.constant 256 : i32
    %dma_start3A_173 = tpu.memref_slice %arg6[%dma_start3A_171, %dma_start3A_172] : memref<4x6400xi32, #tpu.memory_space<vmem>> -> memref<1x128xi32, #tpu.memory_space<vmem>>
    %dma_start3A_174 = tpu.memref_squeeze %dma_start3A_173 : memref<1x128xi32, #tpu.memory_space<vmem>> -> memref<128xi32, #tpu.memory_space<vmem>>
    %dma_start3A_175 = arith.constant 0 : i32
    %dma_start3A_176 = arith.constant 0 : i32
    %dma_start3A_177 = tpu.memref_slice %arg2[%dma_start3A_175, %dma_start3A_176] : memref<4096x128xf32, #tpu.memory_space<hbm>> -> memref<4096x128xf32, #tpu.memory_space<hbm>>
    tpu.enqueue_indirect_dma source(%dma_start3A_177 : memref<4096x128xf32, #tpu.memory_space<hbm>>) target(%arg9 : memref<128x128xf32, #tpu.memory_space<vmem>>) offsets(%dma_start3A_174 : memref<128xi32, #tpu.memory_space<vmem>>) semaphore(%arg25 : memref<!tpu.dma_semaphore, #tpu.memory_space<semaphore_mem>>) {add = true}
    %dma_wait3A_178 = arith.constant 1 : i32
    %dma_wait3A_179 = arith.constant 256 : i32
    %dma_wait3A_180 = tpu.memref_slice %arg6[%dma_wait3A_178, %dma_wait3A_179] : memref<4x6400xi32, #tpu.memory_space<vmem>> -> memref<1x128xi32, #tpu.memory_space<vmem>>
    %dma_wait3A_181 = tpu.memref_squeeze %dma_wait3A_180 : memref<1x128xi32, #tpu.memory_space<vmem>> -> memref<128xi32, #tpu.memory_space<vmem>>
    %dma_wait3A_182 = arith.constant 0 : i32
    %dma_wait3A_183 = arith.constant 0 : i32
    %dma_wait3A_184 = tpu.memref_slice %arg5[%dma_wait3A_182, %dma_wait3A_183] : memref<4096x128xf32, #tpu.memory_space<vmem_shared>> -> memref<4096x128xf32, #tpu.memory_space<vmem_shared>>
    tpu.wait_indirect_dma semaphore(%arg17 : memref<!tpu.dma_semaphore, #tpu.memory_space<semaphore_mem>>) src(%dma_wait3A_184 : memref<4096x128xf32, #tpu.memory_space<vmem_shared>>) dst(%arg9 : memref<128x128xf32, #tpu.memory_space<vmem>>)
    %dma_wait3A_185 = arith.constant 2 : i32
    %dma_wait3A_186 = arith.constant 256 : i32
    %dma_wait3A_187 = tpu.memref_slice %arg6[%dma_wait3A_185, %dma_wait3A_186] : memref<4x6400xi32, #tpu.memory_space<vmem>> -> memref<1x128xi32, #tpu.memory_space<vmem>>
    %dma_wait3A_188 = tpu.memref_squeeze %dma_wait3A_187 : memref<1x128xi32, #tpu.memory_space<vmem>> -> memref<128xi32, #tpu.memory_space<vmem>>
    %dma_wait3A_189 = arith.constant 0 : i32
    %dma_wait3A_190 = arith.constant 0 : i32
    %dma_wait3A_191 = tpu.memref_slice %arg5[%dma_wait3A_189, %dma_wait3A_190] : memref<4096x128xf32, #tpu.memory_space<vmem_shared>> -> memref<4096x128xf32, #tpu.memory_space<vmem_shared>>
    tpu.wait_indirect_dma semaphore(%arg17 : memref<!tpu.dma_semaphore, #tpu.memory_space<semaphore_mem>>) src(%dma_wait3A_191 : memref<4096x128xf32, #tpu.memory_space<vmem_shared>>) dst(%arg9 : memref<128x128xf32, #tpu.memory_space<vmem>>)
    %dma_wait3A_192 = arith.constant 3 : i32
    %dma_wait3A_193 = arith.constant 256 : i32
    %dma_wait3A_194 = tpu.memref_slice %arg6[%dma_wait3A_192, %dma_wait3A_193] : memref<4x6400xi32, #tpu.memory_space<vmem>> -> memref<1x128xi32, #tpu.memory_space<vmem>>
    %dma_wait3A_195 = tpu.memref_squeeze %dma_wait3A_194 : memref<1x128xi32, #tpu.memory_space<vmem>> -> memref<128xi32, #tpu.memory_space<vmem>>
    %dma_wait3A_196 = arith.constant 0 : i32
    %dma_wait3A_197 = arith.constant 0 : i32
    %dma_wait3A_198 = tpu.memref_slice %arg2[%dma_wait3A_196, %dma_wait3A_197] : memref<4096x128xf32, #tpu.memory_space<hbm>> -> memref<4096x128xf32, #tpu.memory_space<hbm>>
    tpu.wait_indirect_dma semaphore(%arg25 : memref<!tpu.dma_semaphore, #tpu.memory_space<semaphore_mem>>) src(%dma_wait3A_198 : memref<4096x128xf32, #tpu.memory_space<hbm>>) dst(%arg9 : memref<128x128xf32, #tpu.memory_space<vmem>>)
    %add3A_199 = arith.constant 256 : i32
    %add3A_200 = arith.addi %mul3A_2, %add3A_199 : i32
    %dma_start3A_201 = arith.constant 0 : i32
    %dma_start3A_202 = tpu.memref_slice %arg4[%add3A_200, %dma_start3A_201] : memref<204800x128xf32, #tpu.memory_space<hbm>> -> memref<128x128xf32, #tpu.memory_space<hbm>>
    %dma_start3A_203 = arith.constant 0 : i32
    %dma_start3A_204 = tpu.memref_slice %arg4[%add3A_200, %dma_start3A_203] : memref<204800x128xf32, #tpu.memory_space<hbm>> -> memref<128x128xf32, #tpu.memory_space<hbm>>
    tpu.enqueue_dma source(%arg9 : memref<128x128xf32, #tpu.memory_space<vmem>>) target(%dma_start3A_204 : memref<128x128xf32, #tpu.memory_space<hbm>>) target_semaphore(%arg21 : memref<!tpu.dma_semaphore, #tpu.memory_space<semaphore_mem>>)
    %add3A_205 = arith.constant 0 : i32
    %add3A_206 = arith.addi %mul3A_2, %add3A_205 : i32
    %dma_wait3A_207 = arith.constant 0 : i32
    %dma_wait3A_208 = tpu.memref_slice %arg4[%add3A_206, %dma_wait3A_207] : memref<204800x128xf32, #tpu.memory_space<hbm>> -> memref<128x128xf32, #tpu.memory_space<hbm>>
    %dma_wait3A_209 = arith.constant 0 : i32
    %dma_wait3A_210 = tpu.memref_slice %arg4[%add3A_206, %dma_wait3A_209] : memref<204800x128xf32, #tpu.memory_space<hbm>> -> memref<128x128xf32, #tpu.memory_space<hbm>>
    tpu.wait_dma2 semaphore(%arg19 : memref<!tpu.dma_semaphore, #tpu.memory_space<semaphore_mem>>) src(%arg7 : memref<128x128xf32, #tpu.memory_space<vmem>>) dst(%dma_wait3A_210 : memref<128x128xf32, #tpu.memory_space<hbm>>)
    %dma_start3A_211 = arith.constant 0 : i32
    %dma_start3A_212 = arith.constant 512 : i32
    %dma_start3A_213 = tpu.memref_slice %arg6[%dma_start3A_211, %dma_start3A_212] : memref<4x6400xi32, #tpu.memory_space<vmem>> -> memref<1x128xi32, #tpu.memory_space<vmem>>
    %dma_start3A_214 = tpu.memref_squeeze %dma_start3A_213 : memref<1x128xi32, #tpu.memory_space<vmem>> -> memref<128xi32, #tpu.memory_space<vmem>>
    %dma_start3A_215 = arith.constant 0 : i32
    %dma_start3A_216 = arith.constant 0 : i32
    %dma_start3A_217 = tpu.memref_slice %arg5[%dma_start3A_215, %dma_start3A_216] : memref<4096x128xf32, #tpu.memory_space<vmem_shared>> -> memref<4096x128xf32, #tpu.memory_space<vmem_shared>>
    tpu.enqueue_indirect_dma source(%dma_start3A_217 : memref<4096x128xf32, #tpu.memory_space<vmem_shared>>) target(%arg7 : memref<128x128xf32, #tpu.memory_space<vmem>>) offsets(%dma_start3A_214 : memref<128xi32, #tpu.memory_space<vmem>>) semaphore(%arg11 : memref<!tpu.dma_semaphore, #tpu.memory_space<semaphore_mem>>)
    %dma_wait3A_218 = arith.constant 0 : i32
    %dma_wait3A_219 = arith.constant 384 : i32
    %dma_wait3A_220 = tpu.memref_slice %arg6[%dma_wait3A_218, %dma_wait3A_219] : memref<4x6400xi32, #tpu.memory_space<vmem>> -> memref<1x128xi32, #tpu.memory_space<vmem>>
    %dma_wait3A_221 = tpu.memref_squeeze %dma_wait3A_220 : memref<1x128xi32, #tpu.memory_space<vmem>> -> memref<128xi32, #tpu.memory_space<vmem>>
    %dma_wait3A_222 = arith.constant 0 : i32
    %dma_wait3A_223 = arith.constant 0 : i32
    %dma_wait3A_224 = tpu.memref_slice %arg5[%dma_wait3A_222, %dma_wait3A_223] : memref<4096x128xf32, #tpu.memory_space<vmem_shared>> -> memref<4096x128xf32, #tpu.memory_space<vmem_shared>>
    tpu.wait_indirect_dma semaphore(%arg14 : memref<!tpu.dma_semaphore, #tpu.memory_space<semaphore_mem>>) src(%dma_wait3A_224 : memref<4096x128xf32, #tpu.memory_space<vmem_shared>>) dst(%arg10 : memref<128x128xf32, #tpu.memory_space<vmem>>)
    %dma_start3A_225 = arith.constant 1 : i32
    %dma_start3A_226 = arith.constant 384 : i32
    %dma_start3A_227 = tpu.memref_slice %arg6[%dma_start3A_225, %dma_start3A_226] : memref<4x6400xi32, #tpu.memory_space<vmem>> -> memref<1x128xi32, #tpu.memory_space<vmem>>
    %dma_start3A_228 = tpu.memref_squeeze %dma_start3A_227 : memref<1x128xi32, #tpu.memory_space<vmem>> -> memref<128xi32, #tpu.memory_space<vmem>>
    %dma_start3A_229 = arith.constant 0 : i32
    %dma_start3A_230 = arith.constant 0 : i32
    %dma_start3A_231 = tpu.memref_slice %arg5[%dma_start3A_229, %dma_start3A_230] : memref<4096x128xf32, #tpu.memory_space<vmem_shared>> -> memref<4096x128xf32, #tpu.memory_space<vmem_shared>>
    tpu.enqueue_indirect_dma source(%dma_start3A_231 : memref<4096x128xf32, #tpu.memory_space<vmem_shared>>) target(%arg10 : memref<128x128xf32, #tpu.memory_space<vmem>>) offsets(%dma_start3A_228 : memref<128xi32, #tpu.memory_space<vmem>>) semaphore(%arg18 : memref<!tpu.dma_semaphore, #tpu.memory_space<semaphore_mem>>) {add = true}
    %dma_start3A_232 = arith.constant 2 : i32
    %dma_start3A_233 = arith.constant 384 : i32
    %dma_start3A_234 = tpu.memref_slice %arg6[%dma_start3A_232, %dma_start3A_233] : memref<4x6400xi32, #tpu.memory_space<vmem>> -> memref<1x128xi32, #tpu.memory_space<vmem>>
    %dma_start3A_235 = tpu.memref_squeeze %dma_start3A_234 : memref<1x128xi32, #tpu.memory_space<vmem>> -> memref<128xi32, #tpu.memory_space<vmem>>
    %dma_start3A_236 = arith.constant 0 : i32
    %dma_start3A_237 = arith.constant 0 : i32
    %dma_start3A_238 = tpu.memref_slice %arg5[%dma_start3A_236, %dma_start3A_237] : memref<4096x128xf32, #tpu.memory_space<vmem_shared>> -> memref<4096x128xf32, #tpu.memory_space<vmem_shared>>
    tpu.enqueue_indirect_dma source(%dma_start3A_238 : memref<4096x128xf32, #tpu.memory_space<vmem_shared>>) target(%arg10 : memref<128x128xf32, #tpu.memory_space<vmem>>) offsets(%dma_start3A_235 : memref<128xi32, #tpu.memory_space<vmem>>) semaphore(%arg18 : memref<!tpu.dma_semaphore, #tpu.memory_space<semaphore_mem>>) {add = true}
    %dma_start3A_239 = arith.constant 3 : i32
    %dma_start3A_240 = arith.constant 384 : i32
    %dma_start3A_241 = tpu.memref_slice %arg6[%dma_start3A_239, %dma_start3A_240] : memref<4x6400xi32, #tpu.memory_space<vmem>> -> memref<1x128xi32, #tpu.memory_space<vmem>>
    %dma_start3A_242 = tpu.memref_squeeze %dma_start3A_241 : memref<1x128xi32, #tpu.memory_space<vmem>> -> memref<128xi32, #tpu.memory_space<vmem>>
    %dma_start3A_243 = arith.constant 0 : i32
    %dma_start3A_244 = arith.constant 0 : i32
    %dma_start3A_245 = tpu.memref_slice %arg2[%dma_start3A_243, %dma_start3A_244] : memref<4096x128xf32, #tpu.memory_space<hbm>> -> memref<4096x128xf32, #tpu.memory_space<hbm>>
    tpu.enqueue_indirect_dma source(%dma_start3A_245 : memref<4096x128xf32, #tpu.memory_space<hbm>>) target(%arg10 : memref<128x128xf32, #tpu.memory_space<vmem>>) offsets(%dma_start3A_242 : memref<128xi32, #tpu.memory_space<vmem>>) semaphore(%arg26 : memref<!tpu.dma_semaphore, #tpu.memory_space<semaphore_mem>>) {add = true}
    %scan3A = arith.constant 0 : i32
    %scan3A_246 = arith.constant 1 : i32
    %scan3A_247 = arith.constant 11 : i32
    %scan3A_248 = arith.addi %scan3A_246, %scan3A_247 : i32
    %scan3A_249 = arith.constant 1 : i32
    scf.for %scan3A_425 = %scan3A_246 to %scan3A_248 step %scan3A_249  : i32 {
      %mul3A_426 = arith.constant 4 : i32
      %mul3A_427 = arith.muli %mul3A_426, %scan3A_425 : i32
      %add3A_428 = arith.constant 0 : i32
      %add3A_429 = arith.addi %mul3A_427, %add3A_428 : i32
      %sub3A = arith.constant 1 : i32
      %sub3A_430 = arith.subi %add3A_429, %sub3A : i32
      %mul3A_431 = arith.constant 128 : i32
      %mul3A_432 = arith.muli %sub3A_430, %mul3A_431 : i32
      %dma_wait3A_433 = arith.constant 1 : i32
      %dma_wait3A_434 = tpu.memref_slice %arg6[%dma_wait3A_433, %mul3A_432] : memref<4x6400xi32, #tpu.memory_space<vmem>> -> memref<1x128xi32, #tpu.memory_space<vmem>>
      %dma_wait3A_435 = tpu.memref_squeeze %dma_wait3A_434 : memref<1x128xi32, #tpu.memory_space<vmem>> -> memref<128xi32, #tpu.memory_space<vmem>>
      %dma_wait3A_436 = arith.constant 0 : i32
      %dma_wait3A_437 = arith.constant 0 : i32
      %dma_wait3A_438 = tpu.memref_slice %arg5[%dma_wait3A_436, %dma_wait3A_437] : memref<4096x128xf32, #tpu.memory_space<vmem_shared>> -> memref<4096x128xf32, #tpu.memory_space<vmem_shared>>
      tpu.wait_indirect_dma semaphore(%arg18 : memref<!tpu.dma_semaphore, #tpu.memory_space<semaphore_mem>>) src(%dma_wait3A_438 : memref<4096x128xf32, #tpu.memory_space<vmem_shared>>) dst(%arg10 : memref<128x128xf32, #tpu.memory_space<vmem>>)
      %sub3A_439 = arith.constant 1 : i32
      %sub3A_440 = arith.subi %add3A_429, %sub3A_439 : i32
      %mul3A_441 = arith.constant 128 : i32
      %mul3A_442 = arith.muli %sub3A_440, %mul3A_441 : i32
      %dma_wait3A_443 = arith.constant 2 : i32
      %dma_wait3A_444 = tpu.memref_slice %arg6[%dma_wait3A_443, %mul3A_442] : memref<4x6400xi32, #tpu.memory_space<vmem>> -> memref<1x128xi32, #tpu.memory_space<vmem>>
      %dma_wait3A_445 = tpu.memref_squeeze %dma_wait3A_444 : memref<1x128xi32, #tpu.memory_space<vmem>> -> memref<128xi32, #tpu.memory_space<vmem>>
      %dma_wait3A_446 = arith.constant 0 : i32
      %dma_wait3A_447 = arith.constant 0 : i32
      %dma_wait3A_448 = tpu.memref_slice %arg5[%dma_wait3A_446, %dma_wait3A_447] : memref<4096x128xf32, #tpu.memory_space<vmem_shared>> -> memref<4096x128xf32, #tpu.memory_space<vmem_shared>>
      tpu.wait_indirect_dma semaphore(%arg18 : memref<!tpu.dma_semaphore, #tpu.memory_space<semaphore_mem>>) src(%dma_wait3A_448 : memref<4096x128xf32, #tpu.memory_space<vmem_shared>>) dst(%arg10 : memref<128x128xf32, #tpu.memory_space<vmem>>)
      %sub3A_449 = arith.constant 1 : i32
      %sub3A_450 = arith.subi %add3A_429, %sub3A_449 : i32
      %mul3A_451 = arith.constant 128 : i32
      %mul3A_452 = arith.muli %sub3A_450, %mul3A_451 : i32
      %dma_wait3A_453 = arith.constant 3 : i32
      %dma_wait3A_454 = tpu.memref_slice %arg6[%dma_wait3A_453, %mul3A_452] : memref<4x6400xi32, #tpu.memory_space<vmem>> -> memref<1x128xi32, #tpu.memory_space<vmem>>
      %dma_wait3A_455 = tpu.memref_squeeze %dma_wait3A_454 : memref<1x128xi32, #tpu.memory_space<vmem>> -> memref<128xi32, #tpu.memory_space<vmem>>
      %dma_wait3A_456 = arith.constant 0 : i32
      %dma_wait3A_457 = arith.constant 0 : i32
      %dma_wait3A_458 = tpu.memref_slice %arg2[%dma_wait3A_456, %dma_wait3A_457] : memref<4096x128xf32, #tpu.memory_space<hbm>> -> memref<4096x128xf32, #tpu.memory_space<hbm>>
      tpu.wait_indirect_dma semaphore(%arg26 : memref<!tpu.dma_semaphore, #tpu.memory_space<semaphore_mem>>) src(%dma_wait3A_458 : memref<4096x128xf32, #tpu.memory_space<hbm>>) dst(%arg10 : memref<128x128xf32, #tpu.memory_space<vmem>>)
      %sub3A_459 = arith.constant 1 : i32
      %sub3A_460 = arith.subi %add3A_429, %sub3A_459 : i32
      %mul3A_461 = arith.constant 128 : i32
      %mul3A_462 = arith.muli %sub3A_460, %mul3A_461 : i32
      %add3A_463 = arith.addi %mul3A_2, %mul3A_462 : i32
      %dma_start3A_464 = arith.constant 0 : i32
      %dma_start3A_465 = tpu.memref_slice %arg4[%add3A_463, %dma_start3A_464] : memref<204800x128xf32, #tpu.memory_space<hbm>> -> memref<128x128xf32, #tpu.memory_space<hbm>>
      %dma_start3A_466 = arith.constant 0 : i32
      %dma_start3A_467 = tpu.memref_slice %arg4[%add3A_463, %dma_start3A_466] : memref<204800x128xf32, #tpu.memory_space<hbm>> -> memref<128x128xf32, #tpu.memory_space<hbm>>
      tpu.enqueue_dma source(%arg10 : memref<128x128xf32, #tpu.memory_space<vmem>>) target(%dma_start3A_467 : memref<128x128xf32, #tpu.memory_space<hbm>>) target_semaphore(%arg22 : memref<!tpu.dma_semaphore, #tpu.memory_space<semaphore_mem>>)
      %sub3A_468 = arith.constant 3 : i32
      %sub3A_469 = arith.subi %add3A_429, %sub3A_468 : i32
      %mul3A_470 = arith.constant 128 : i32
      %mul3A_471 = arith.muli %sub3A_469, %mul3A_470 : i32
      %add3A_472 = arith.addi %mul3A_2, %mul3A_471 : i32
      %dma_wait3A_473 = arith.constant 0 : i32
      %dma_wait3A_474 = tpu.memref_slice %arg4[%add3A_472, %dma_wait3A_473] : memref<204800x128xf32, #tpu.memory_space<hbm>> -> memref<128x128xf32, #tpu.memory_space<hbm>>
      %dma_wait3A_475 = arith.constant 0 : i32
      %dma_wait3A_476 = tpu.memref_slice %arg4[%add3A_472, %dma_wait3A_475] : memref<204800x128xf32, #tpu.memory_space<hbm>> -> memref<128x128xf32, #tpu.memory_space<hbm>>
      tpu.wait_dma2 semaphore(%arg20 : memref<!tpu.dma_semaphore, #tpu.memory_space<semaphore_mem>>) src(%arg8 : memref<128x128xf32, #tpu.memory_space<vmem>>) dst(%dma_wait3A_476 : memref<128x128xf32, #tpu.memory_space<hbm>>)
      %add3A_477 = arith.constant 1 : i32
      %add3A_478 = arith.addi %add3A_429, %add3A_477 : i32
      %mul3A_479 = arith.constant 128 : i32
      %mul3A_480 = arith.muli %add3A_478, %mul3A_479 : i32
      %dma_start3A_481 = arith.constant 0 : i32
      %dma_start3A_482 = tpu.memref_slice %arg6[%dma_start3A_481, %mul3A_480] : memref<4x6400xi32, #tpu.memory_space<vmem>> -> memref<1x128xi32, #tpu.memory_space<vmem>>
      %dma_start3A_483 = tpu.memref_squeeze %dma_start3A_482 : memref<1x128xi32, #tpu.memory_space<vmem>> -> memref<128xi32, #tpu.memory_space<vmem>>
      %dma_start3A_484 = arith.constant 0 : i32
      %dma_start3A_485 = arith.constant 0 : i32
      %dma_start3A_486 = tpu.memref_slice %arg5[%dma_start3A_484, %dma_start3A_485] : memref<4096x128xf32, #tpu.memory_space<vmem_shared>> -> memref<4096x128xf32, #tpu.memory_space<vmem_shared>>
      tpu.enqueue_indirect_dma source(%dma_start3A_486 : memref<4096x128xf32, #tpu.memory_space<vmem_shared>>) target(%arg8 : memref<128x128xf32, #tpu.memory_space<vmem>>) offsets(%dma_start3A_483 : memref<128xi32, #tpu.memory_space<vmem>>) semaphore(%arg12 : memref<!tpu.dma_semaphore, #tpu.memory_space<semaphore_mem>>)
      %mul3A_487 = arith.constant 128 : i32
      %mul3A_488 = arith.muli %add3A_429, %mul3A_487 : i32
      %dma_wait3A_489 = arith.constant 0 : i32
      %dma_wait3A_490 = tpu.memref_slice %arg6[%dma_wait3A_489, %mul3A_488] : memref<4x6400xi32, #tpu.memory_space<vmem>> -> memref<1x128xi32, #tpu.memory_space<vmem>>
      %dma_wait3A_491 = tpu.memref_squeeze %dma_wait3A_490 : memref<1x128xi32, #tpu.memory_space<vmem>> -> memref<128xi32, #tpu.memory_space<vmem>>
      %dma_wait3A_492 = arith.constant 0 : i32
      %dma_wait3A_493 = arith.constant 0 : i32
      %dma_wait3A_494 = tpu.memref_slice %arg5[%dma_wait3A_492, %dma_wait3A_493] : memref<4096x128xf32, #tpu.memory_space<vmem_shared>> -> memref<4096x128xf32, #tpu.memory_space<vmem_shared>>
      tpu.wait_indirect_dma semaphore(%arg11 : memref<!tpu.dma_semaphore, #tpu.memory_space<semaphore_mem>>) src(%dma_wait3A_494 : memref<4096x128xf32, #tpu.memory_space<vmem_shared>>) dst(%arg7 : memref<128x128xf32, #tpu.memory_space<vmem>>)
      %mul3A_495 = arith.constant 128 : i32
      %mul3A_496 = arith.muli %add3A_429, %mul3A_495 : i32
      %dma_start3A_497 = arith.constant 1 : i32
      %dma_start3A_498 = tpu.memref_slice %arg6[%dma_start3A_497, %mul3A_496] : memref<4x6400xi32, #tpu.memory_space<vmem>> -> memref<1x128xi32, #tpu.memory_space<vmem>>
      %dma_start3A_499 = tpu.memref_squeeze %dma_start3A_498 : memref<1x128xi32, #tpu.memory_space<vmem>> -> memref<128xi32, #tpu.memory_space<vmem>>
      %dma_start3A_500 = arith.constant 0 : i32
      %dma_start3A_501 = arith.constant 0 : i32
      %dma_start3A_502 = tpu.memref_slice %arg5[%dma_start3A_500, %dma_start3A_501] : memref<4096x128xf32, #tpu.memory_space<vmem_shared>> -> memref<4096x128xf32, #tpu.memory_space<vmem_shared>>
      tpu.enqueue_indirect_dma source(%dma_start3A_502 : memref<4096x128xf32, #tpu.memory_space<vmem_shared>>) target(%arg7 : memref<128x128xf32, #tpu.memory_space<vmem>>) offsets(%dma_start3A_499 : memref<128xi32, #tpu.memory_space<vmem>>) semaphore(%arg15 : memref<!tpu.dma_semaphore, #tpu.memory_space<semaphore_mem>>) {add = true}
      %mul3A_503 = arith.constant 128 : i32
      %mul3A_504 = arith.muli %add3A_429, %mul3A_503 : i32
      %dma_start3A_505 = arith.constant 2 : i32
      %dma_start3A_506 = tpu.memref_slice %arg6[%dma_start3A_505, %mul3A_504] : memref<4x6400xi32, #tpu.memory_space<vmem>> -> memref<1x128xi32, #tpu.memory_space<vmem>>
      %dma_start3A_507 = tpu.memref_squeeze %dma_start3A_506 : memref<1x128xi32, #tpu.memory_space<vmem>> -> memref<128xi32, #tpu.memory_space<vmem>>
      %dma_start3A_508 = arith.constant 0 : i32
      %dma_start3A_509 = arith.constant 0 : i32
      %dma_start3A_510 = tpu.memref_slice %arg5[%dma_start3A_508, %dma_start3A_509] : memref<4096x128xf32, #tpu.memory_space<vmem_shared>> -> memref<4096x128xf32, #tpu.memory_space<vmem_shared>>
      tpu.enqueue_indirect_dma source(%dma_start3A_510 : memref<4096x128xf32, #tpu.memory_space<vmem_shared>>) target(%arg7 : memref<128x128xf32, #tpu.memory_space<vmem>>) offsets(%dma_start3A_507 : memref<128xi32, #tpu.memory_space<vmem>>) semaphore(%arg15 : memref<!tpu.dma_semaphore, #tpu.memory_space<semaphore_mem>>) {add = true}
      %mul3A_511 = arith.constant 128 : i32
      %mul3A_512 = arith.muli %add3A_429, %mul3A_511 : i32
      %dma_start3A_513 = arith.constant 3 : i32
      %dma_start3A_514 = tpu.memref_slice %arg6[%dma_start3A_513, %mul3A_512] : memref<4x6400xi32, #tpu.memory_space<vmem>> -> memref<1x128xi32, #tpu.memory_space<vmem>>
      %dma_start3A_515 = tpu.memref_squeeze %dma_start3A_514 : memref<1x128xi32, #tpu.memory_space<vmem>> -> memref<128xi32, #tpu.memory_space<vmem>>
      %dma_start3A_516 = arith.constant 0 : i32
      %dma_start3A_517 = arith.constant 0 : i32
      %dma_start3A_518 = tpu.memref_slice %arg2[%dma_start3A_516, %dma_start3A_517] : memref<4096x128xf32, #tpu.memory_space<hbm>> -> memref<4096x128xf32, #tpu.memory_space<hbm>>
      tpu.enqueue_indirect_dma source(%dma_start3A_518 : memref<4096x128xf32, #tpu.memory_space<hbm>>) target(%arg7 : memref<128x128xf32, #tpu.memory_space<vmem>>) offsets(%dma_start3A_515 : memref<128xi32, #tpu.memory_space<vmem>>) semaphore(%arg23 : memref<!tpu.dma_semaphore, #tpu.memory_space<semaphore_mem>>) {add = true}
      %add3A_519 = arith.constant 1 : i32
      %add3A_520 = arith.addi %mul3A_427, %add3A_519 : i32
      %sub3A_521 = arith.constant 1 : i32
      %sub3A_522 = arith.subi %add3A_520, %sub3A_521 : i32
      %mul3A_523 = arith.constant 128 : i32
      %mul3A_524 = arith.muli %sub3A_522, %mul3A_523 : i32
      %dma_wait3A_525 = arith.constant 1 : i32
      %dma_wait3A_526 = tpu.memref_slice %arg6[%dma_wait3A_525, %mul3A_524] : memref<4x6400xi32, #tpu.memory_space<vmem>> -> memref<1x128xi32, #tpu.memory_space<vmem>>
      %dma_wait3A_527 = tpu.memref_squeeze %dma_wait3A_526 : memref<1x128xi32, #tpu.memory_space<vmem>> -> memref<128xi32, #tpu.memory_space<vmem>>
      %dma_wait3A_528 = arith.constant 0 : i32
      %dma_wait3A_529 = arith.constant 0 : i32
      %dma_wait3A_530 = tpu.memref_slice %arg5[%dma_wait3A_528, %dma_wait3A_529] : memref<4096x128xf32, #tpu.memory_space<vmem_shared>> -> memref<4096x128xf32, #tpu.memory_space<vmem_shared>>
      tpu.wait_indirect_dma semaphore(%arg15 : memref<!tpu.dma_semaphore, #tpu.memory_space<semaphore_mem>>) src(%dma_wait3A_530 : memref<4096x128xf32, #tpu.memory_space<vmem_shared>>) dst(%arg7 : memref<128x128xf32, #tpu.memory_space<vmem>>)
      %sub3A_531 = arith.constant 1 : i32
      %sub3A_532 = arith.subi %add3A_520, %sub3A_531 : i32
      %mul3A_533 = arith.constant 128 : i32
      %mul3A_534 = arith.muli %sub3A_532, %mul3A_533 : i32
      %dma_wait3A_535 = arith.constant 2 : i32
      %dma_wait3A_536 = tpu.memref_slice %arg6[%dma_wait3A_535, %mul3A_534] : memref<4x6400xi32, #tpu.memory_space<vmem>> -> memref<1x128xi32, #tpu.memory_space<vmem>>
      %dma_wait3A_537 = tpu.memref_squeeze %dma_wait3A_536 : memref<1x128xi32, #tpu.memory_space<vmem>> -> memref<128xi32, #tpu.memory_space<vmem>>
      %dma_wait3A_538 = arith.constant 0 : i32
      %dma_wait3A_539 = arith.constant 0 : i32
      %dma_wait3A_540 = tpu.memref_slice %arg5[%dma_wait3A_538, %dma_wait3A_539] : memref<4096x128xf32, #tpu.memory_space<vmem_shared>> -> memref<4096x128xf32, #tpu.memory_space<vmem_shared>>
      tpu.wait_indirect_dma semaphore(%arg15 : memref<!tpu.dma_semaphore, #tpu.memory_space<semaphore_mem>>) src(%dma_wait3A_540 : memref<4096x128xf32, #tpu.memory_space<vmem_shared>>) dst(%arg7 : memref<128x128xf32, #tpu.memory_space<vmem>>)
      %sub3A_541 = arith.constant 1 : i32
      %sub3A_542 = arith.subi %add3A_520, %sub3A_541 : i32
      %mul3A_543 = arith.constant 128 : i32
      %mul3A_544 = arith.muli %sub3A_542, %mul3A_543 : i32
      %dma_wait3A_545 = arith.constant 3 : i32
      %dma_wait3A_546 = tpu.memref_slice %arg6[%dma_wait3A_545, %mul3A_544] : memref<4x6400xi32, #tpu.memory_space<vmem>> -> memref<1x128xi32, #tpu.memory_space<vmem>>
      %dma_wait3A_547 = tpu.memref_squeeze %dma_wait3A_546 : memref<1x128xi32, #tpu.memory_space<vmem>> -> memref<128xi32, #tpu.memory_space<vmem>>
      %dma_wait3A_548 = arith.constant 0 : i32
      %dma_wait3A_549 = arith.constant 0 : i32
      %dma_wait3A_550 = tpu.memref_slice %arg2[%dma_wait3A_548, %dma_wait3A_549] : memref<4096x128xf32, #tpu.memory_space<hbm>> -> memref<4096x128xf32, #tpu.memory_space<hbm>>
      tpu.wait_indirect_dma semaphore(%arg23 : memref<!tpu.dma_semaphore, #tpu.memory_space<semaphore_mem>>) src(%dma_wait3A_550 : memref<4096x128xf32, #tpu.memory_space<hbm>>) dst(%arg7 : memref<128x128xf32, #tpu.memory_space<vmem>>)
      %sub3A_551 = arith.constant 1 : i32
      %sub3A_552 = arith.subi %add3A_520, %sub3A_551 : i32
      %mul3A_553 = arith.constant 128 : i32
      %mul3A_554 = arith.muli %sub3A_552, %mul3A_553 : i32
      %add3A_555 = arith.addi %mul3A_2, %mul3A_554 : i32
      %dma_start3A_556 = arith.constant 0 : i32
      %dma_start3A_557 = tpu.memref_slice %arg4[%add3A_555, %dma_start3A_556] : memref<204800x128xf32, #tpu.memory_space<hbm>> -> memref<128x128xf32, #tpu.memory_space<hbm>>
      %dma_start3A_558 = arith.constant 0 : i32
      %dma_start3A_559 = tpu.memref_slice %arg4[%add3A_555, %dma_start3A_558] : memref<204800x128xf32, #tpu.memory_space<hbm>> -> memref<128x128xf32, #tpu.memory_space<hbm>>
      tpu.enqueue_dma source(%arg7 : memref<128x128xf32, #tpu.memory_space<vmem>>) target(%dma_start3A_559 : memref<128x128xf32, #tpu.memory_space<hbm>>) target_semaphore(%arg19 : memref<!tpu.dma_semaphore, #tpu.memory_space<semaphore_mem>>)
      %sub3A_560 = arith.constant 3 : i32
      %sub3A_561 = arith.subi %add3A_520, %sub3A_560 : i32
      %mul3A_562 = arith.constant 128 : i32
      %mul3A_563 = arith.muli %sub3A_561, %mul3A_562 : i32
      %add3A_564 = arith.addi %mul3A_2, %mul3A_563 : i32
      %dma_wait3A_565 = arith.constant 0 : i32
      %dma_wait3A_566 = tpu.memref_slice %arg4[%add3A_564, %dma_wait3A_565] : memref<204800x128xf32, #tpu.memory_space<hbm>> -> memref<128x128xf32, #tpu.memory_space<hbm>>
      %dma_wait3A_567 = arith.constant 0 : i32
      %dma_wait3A_568 = tpu.memref_slice %arg4[%add3A_564, %dma_wait3A_567] : memref<204800x128xf32, #tpu.memory_space<hbm>> -> memref<128x128xf32, #tpu.memory_space<hbm>>
      tpu.wait_dma2 semaphore(%arg21 : memref<!tpu.dma_semaphore, #tpu.memory_space<semaphore_mem>>) src(%arg9 : memref<128x128xf32, #tpu.memory_space<vmem>>) dst(%dma_wait3A_568 : memref<128x128xf32, #tpu.memory_space<hbm>>)
      %add3A_569 = arith.constant 1 : i32
      %add3A_570 = arith.addi %add3A_520, %add3A_569 : i32
      %mul3A_571 = arith.constant 128 : i32
      %mul3A_572 = arith.muli %add3A_570, %mul3A_571 : i32
      %dma_start3A_573 = arith.constant 0 : i32
      %dma_start3A_574 = tpu.memref_slice %arg6[%dma_start3A_573, %mul3A_572] : memref<4x6400xi32, #tpu.memory_space<vmem>> -> memref<1x128xi32, #tpu.memory_space<vmem>>
      %dma_start3A_575 = tpu.memref_squeeze %dma_start3A_574 : memref<1x128xi32, #tpu.memory_space<vmem>> -> memref<128xi32, #tpu.memory_space<vmem>>
      %dma_start3A_576 = arith.constant 0 : i32
      %dma_start3A_577 = arith.constant 0 : i32
      %dma_start3A_578 = tpu.memref_slice %arg5[%dma_start3A_576, %dma_start3A_577] : memref<4096x128xf32, #tpu.memory_space<vmem_shared>> -> memref<4096x128xf32, #tpu.memory_space<vmem_shared>>
      tpu.enqueue_indirect_dma source(%dma_start3A_578 : memref<4096x128xf32, #tpu.memory_space<vmem_shared>>) target(%arg9 : memref<128x128xf32, #tpu.memory_space<vmem>>) offsets(%dma_start3A_575 : memref<128xi32, #tpu.memory_space<vmem>>) semaphore(%arg13 : memref<!tpu.dma_semaphore, #tpu.memory_space<semaphore_mem>>)
      %mul3A_579 = arith.constant 128 : i32
      %mul3A_580 = arith.muli %add3A_520, %mul3A_579 : i32
      %dma_wait3A_581 = arith.constant 0 : i32
      %dma_wait3A_582 = tpu.memref_slice %arg6[%dma_wait3A_581, %mul3A_580] : memref<4x6400xi32, #tpu.memory_space<vmem>> -> memref<1x128xi32, #tpu.memory_space<vmem>>
      %dma_wait3A_583 = tpu.memref_squeeze %dma_wait3A_582 : memref<1x128xi32, #tpu.memory_space<vmem>> -> memref<128xi32, #tpu.memory_space<vmem>>
      %dma_wait3A_584 = arith.constant 0 : i32
      %dma_wait3A_585 = arith.constant 0 : i32
      %dma_wait3A_586 = tpu.memref_slice %arg5[%dma_wait3A_584, %dma_wait3A_585] : memref<4096x128xf32, #tpu.memory_space<vmem_shared>> -> memref<4096x128xf32, #tpu.memory_space<vmem_shared>>
      tpu.wait_indirect_dma semaphore(%arg12 : memref<!tpu.dma_semaphore, #tpu.memory_space<semaphore_mem>>) src(%dma_wait3A_586 : memref<4096x128xf32, #tpu.memory_space<vmem_shared>>) dst(%arg8 : memref<128x128xf32, #tpu.memory_space<vmem>>)
      %mul3A_587 = arith.constant 128 : i32
      %mul3A_588 = arith.muli %add3A_520, %mul3A_587 : i32
      %dma_start3A_589 = arith.constant 1 : i32
      %dma_start3A_590 = tpu.memref_slice %arg6[%dma_start3A_589, %mul3A_588] : memref<4x6400xi32, #tpu.memory_space<vmem>> -> memref<1x128xi32, #tpu.memory_space<vmem>>
      %dma_start3A_591 = tpu.memref_squeeze %dma_start3A_590 : memref<1x128xi32, #tpu.memory_space<vmem>> -> memref<128xi32, #tpu.memory_space<vmem>>
      %dma_start3A_592 = arith.constant 0 : i32
      %dma_start3A_593 = arith.constant 0 : i32
      %dma_start3A_594 = tpu.memref_slice %arg5[%dma_start3A_592, %dma_start3A_593] : memref<4096x128xf32, #tpu.memory_space<vmem_shared>> -> memref<4096x128xf32, #tpu.memory_space<vmem_shared>>
      tpu.enqueue_indirect_dma source(%dma_start3A_594 : memref<4096x128xf32, #tpu.memory_space<vmem_shared>>) target(%arg8 : memref<128x128xf32, #tpu.memory_space<vmem>>) offsets(%dma_start3A_591 : memref<128xi32, #tpu.memory_space<vmem>>) semaphore(%arg16 : memref<!tpu.dma_semaphore, #tpu.memory_space<semaphore_mem>>) {add = true}
      %mul3A_595 = arith.constant 128 : i32
      %mul3A_596 = arith.muli %add3A_520, %mul3A_595 : i32
      %dma_start3A_597 = arith.constant 2 : i32
      %dma_start3A_598 = tpu.memref_slice %arg6[%dma_start3A_597, %mul3A_596] : memref<4x6400xi32, #tpu.memory_space<vmem>> -> memref<1x128xi32, #tpu.memory_space<vmem>>
      %dma_start3A_599 = tpu.memref_squeeze %dma_start3A_598 : memref<1x128xi32, #tpu.memory_space<vmem>> -> memref<128xi32, #tpu.memory_space<vmem>>
      %dma_start3A_600 = arith.constant 0 : i32
      %dma_start3A_601 = arith.constant 0 : i32
      %dma_start3A_602 = tpu.memref_slice %arg5[%dma_start3A_600, %dma_start3A_601] : memref<4096x128xf32, #tpu.memory_space<vmem_shared>> -> memref<4096x128xf32, #tpu.memory_space<vmem_shared>>
      tpu.enqueue_indirect_dma source(%dma_start3A_602 : memref<4096x128xf32, #tpu.memory_space<vmem_shared>>) target(%arg8 : memref<128x128xf32, #tpu.memory_space<vmem>>) offsets(%dma_start3A_599 : memref<128xi32, #tpu.memory_space<vmem>>) semaphore(%arg16 : memref<!tpu.dma_semaphore, #tpu.memory_space<semaphore_mem>>) {add = true}
      %mul3A_603 = arith.constant 128 : i32
      %mul3A_604 = arith.muli %add3A_520, %mul3A_603 : i32
      %dma_start3A_605 = arith.constant 3 : i32
      %dma_start3A_606 = tpu.memref_slice %arg6[%dma_start3A_605, %mul3A_604] : memref<4x6400xi32, #tpu.memory_space<vmem>> -> memref<1x128xi32, #tpu.memory_space<vmem>>
      %dma_start3A_607 = tpu.memref_squeeze %dma_start3A_606 : memref<1x128xi32, #tpu.memory_space<vmem>> -> memref<128xi32, #tpu.memory_space<vmem>>
      %dma_start3A_608 = arith.constant 0 : i32
      %dma_start3A_609 = arith.constant 0 : i32
      %dma_start3A_610 = tpu.memref_slice %arg2[%dma_start3A_608, %dma_start3A_609] : memref<4096x128xf32, #tpu.memory_space<hbm>> -> memref<4096x128xf32, #tpu.memory_space<hbm>>
      tpu.enqueue_indirect_dma source(%dma_start3A_610 : memref<4096x128xf32, #tpu.memory_space<hbm>>) target(%arg8 : memref<128x128xf32, #tpu.memory_space<vmem>>) offsets(%dma_start3A_607 : memref<128xi32, #tpu.memory_space<vmem>>) semaphore(%arg24 : memref<!tpu.dma_semaphore, #tpu.memory_space<semaphore_mem>>) {add = true}
      %add3A_611 = arith.constant 2 : i32
      %add3A_612 = arith.addi %mul3A_427, %add3A_611 : i32
      %sub3A_613 = arith.constant 1 : i32
      %sub3A_614 = arith.subi %add3A_612, %sub3A_613 : i32
      %mul3A_615 = arith.constant 128 : i32
      %mul3A_616 = arith.muli %sub3A_614, %mul3A_615 : i32
      %dma_wait3A_617 = arith.constant 1 : i32
      %dma_wait3A_618 = tpu.memref_slice %arg6[%dma_wait3A_617, %mul3A_616] : memref<4x6400xi32, #tpu.memory_space<vmem>> -> memref<1x128xi32, #tpu.memory_space<vmem>>
      %dma_wait3A_619 = tpu.memref_squeeze %dma_wait3A_618 : memref<1x128xi32, #tpu.memory_space<vmem>> -> memref<128xi32, #tpu.memory_space<vmem>>
      %dma_wait3A_620 = arith.constant 0 : i32
      %dma_wait3A_621 = arith.constant 0 : i32
      %dma_wait3A_622 = tpu.memref_slice %arg5[%dma_wait3A_620, %dma_wait3A_621] : memref<4096x128xf32, #tpu.memory_space<vmem_shared>> -> memref<4096x128xf32, #tpu.memory_space<vmem_shared>>
      tpu.wait_indirect_dma semaphore(%arg16 : memref<!tpu.dma_semaphore, #tpu.memory_space<semaphore_mem>>) src(%dma_wait3A_622 : memref<4096x128xf32, #tpu.memory_space<vmem_shared>>) dst(%arg8 : memref<128x128xf32, #tpu.memory_space<vmem>>)
      %sub3A_623 = arith.constant 1 : i32
      %sub3A_624 = arith.subi %add3A_612, %sub3A_623 : i32
      %mul3A_625 = arith.constant 128 : i32
      %mul3A_626 = arith.muli %sub3A_624, %mul3A_625 : i32
      %dma_wait3A_627 = arith.constant 2 : i32
      %dma_wait3A_628 = tpu.memref_slice %arg6[%dma_wait3A_627, %mul3A_626] : memref<4x6400xi32, #tpu.memory_space<vmem>> -> memref<1x128xi32, #tpu.memory_space<vmem>>
      %dma_wait3A_629 = tpu.memref_squeeze %dma_wait3A_628 : memref<1x128xi32, #tpu.memory_space<vmem>> -> memref<128xi32, #tpu.memory_space<vmem>>
      %dma_wait3A_630 = arith.constant 0 : i32
      %dma_wait3A_631 = arith.constant 0 : i32
      %dma_wait3A_632 = tpu.memref_slice %arg5[%dma_wait3A_630, %dma_wait3A_631] : memref<4096x128xf32, #tpu.memory_space<vmem_shared>> -> memref<4096x128xf32, #tpu.memory_space<vmem_shared>>
      tpu.wait_indirect_dma semaphore(%arg16 : memref<!tpu.dma_semaphore, #tpu.memory_space<semaphore_mem>>) src(%dma_wait3A_632 : memref<4096x128xf32, #tpu.memory_space<vmem_shared>>) dst(%arg8 : memref<128x128xf32, #tpu.memory_space<vmem>>)
      %sub3A_633 = arith.constant 1 : i32
      %sub3A_634 = arith.subi %add3A_612, %sub3A_633 : i32
      %mul3A_635 = arith.constant 128 : i32
      %mul3A_636 = arith.muli %sub3A_634, %mul3A_635 : i32
      %dma_wait3A_637 = arith.constant 3 : i32
      %dma_wait3A_638 = tpu.memref_slice %arg6[%dma_wait3A_637, %mul3A_636] : memref<4x6400xi32, #tpu.memory_space<vmem>> -> memref<1x128xi32, #tpu.memory_space<vmem>>
      %dma_wait3A_639 = tpu.memref_squeeze %dma_wait3A_638 : memref<1x128xi32, #tpu.memory_space<vmem>> -> memref<128xi32, #tpu.memory_space<vmem>>
      %dma_wait3A_640 = arith.constant 0 : i32
      %dma_wait3A_641 = arith.constant 0 : i32
      %dma_wait3A_642 = tpu.memref_slice %arg2[%dma_wait3A_640, %dma_wait3A_641] : memref<4096x128xf32, #tpu.memory_space<hbm>> -> memref<4096x128xf32, #tpu.memory_space<hbm>>
      tpu.wait_indirect_dma semaphore(%arg24 : memref<!tpu.dma_semaphore, #tpu.memory_space<semaphore_mem>>) src(%dma_wait3A_642 : memref<4096x128xf32, #tpu.memory_space<hbm>>) dst(%arg8 : memref<128x128xf32, #tpu.memory_space<vmem>>)
      %sub3A_643 = arith.constant 1 : i32
      %sub3A_644 = arith.subi %add3A_612, %sub3A_643 : i32
      %mul3A_645 = arith.constant 128 : i32
      %mul3A_646 = arith.muli %sub3A_644, %mul3A_645 : i32
      %add3A_647 = arith.addi %mul3A_2, %mul3A_646 : i32
      %dma_start3A_648 = arith.constant 0 : i32
      %dma_start3A_649 = tpu.memref_slice %arg4[%add3A_647, %dma_start3A_648] : memref<204800x128xf32, #tpu.memory_space<hbm>> -> memref<128x128xf32, #tpu.memory_space<hbm>>
      %dma_start3A_650 = arith.constant 0 : i32
      %dma_start3A_651 = tpu.memref_slice %arg4[%add3A_647, %dma_start3A_650] : memref<204800x128xf32, #tpu.memory_space<hbm>> -> memref<128x128xf32, #tpu.memory_space<hbm>>
      tpu.enqueue_dma source(%arg8 : memref<128x128xf32, #tpu.memory_space<vmem>>) target(%dma_start3A_651 : memref<128x128xf32, #tpu.memory_space<hbm>>) target_semaphore(%arg20 : memref<!tpu.dma_semaphore, #tpu.memory_space<semaphore_mem>>)
      %sub3A_652 = arith.constant 3 : i32
      %sub3A_653 = arith.subi %add3A_612, %sub3A_652 : i32
      %mul3A_654 = arith.constant 128 : i32
      %mul3A_655 = arith.muli %sub3A_653, %mul3A_654 : i32
      %add3A_656 = arith.addi %mul3A_2, %mul3A_655 : i32
      %dma_wait3A_657 = arith.constant 0 : i32
      %dma_wait3A_658 = tpu.memref_slice %arg4[%add3A_656, %dma_wait3A_657] : memref<204800x128xf32, #tpu.memory_space<hbm>> -> memref<128x128xf32, #tpu.memory_space<hbm>>
      %dma_wait3A_659 = arith.constant 0 : i32
      %dma_wait3A_660 = tpu.memref_slice %arg4[%add3A_656, %dma_wait3A_659] : memref<204800x128xf32, #tpu.memory_space<hbm>> -> memref<128x128xf32, #tpu.memory_space<hbm>>
      tpu.wait_dma2 semaphore(%arg22 : memref<!tpu.dma_semaphore, #tpu.memory_space<semaphore_mem>>) src(%arg10 : memref<128x128xf32, #tpu.memory_space<vmem>>) dst(%dma_wait3A_660 : memref<128x128xf32, #tpu.memory_space<hbm>>)
      %add3A_661 = arith.constant 1 : i32
      %add3A_662 = arith.addi %add3A_612, %add3A_661 : i32
      %mul3A_663 = arith.constant 128 : i32
      %mul3A_664 = arith.muli %add3A_662, %mul3A_663 : i32
      %dma_start3A_665 = arith.constant 0 : i32
      %dma_start3A_666 = tpu.memref_slice %arg6[%dma_start3A_665, %mul3A_664] : memref<4x6400xi32, #tpu.memory_space<vmem>> -> memref<1x128xi32, #tpu.memory_space<vmem>>
      %dma_start3A_667 = tpu.memref_squeeze %dma_start3A_666 : memref<1x128xi32, #tpu.memory_space<vmem>> -> memref<128xi32, #tpu.memory_space<vmem>>
      %dma_start3A_668 = arith.constant 0 : i32
      %dma_start3A_669 = arith.constant 0 : i32
      %dma_start3A_670 = tpu.memref_slice %arg5[%dma_start3A_668, %dma_start3A_669] : memref<4096x128xf32, #tpu.memory_space<vmem_shared>> -> memref<4096x128xf32, #tpu.memory_space<vmem_shared>>
      tpu.enqueue_indirect_dma source(%dma_start3A_670 : memref<4096x128xf32, #tpu.memory_space<vmem_shared>>) target(%arg10 : memref<128x128xf32, #tpu.memory_space<vmem>>) offsets(%dma_start3A_667 : memref<128xi32, #tpu.memory_space<vmem>>) semaphore(%arg14 : memref<!tpu.dma_semaphore, #tpu.memory_space<semaphore_mem>>)
      %mul3A_671 = arith.constant 128 : i32
      %mul3A_672 = arith.muli %add3A_612, %mul3A_671 : i32
      %dma_wait3A_673 = arith.constant 0 : i32
      %dma_wait3A_674 = tpu.memref_slice %arg6[%dma_wait3A_673, %mul3A_672] : memref<4x6400xi32, #tpu.memory_space<vmem>> -> memref<1x128xi32, #tpu.memory_space<vmem>>
      %dma_wait3A_675 = tpu.memref_squeeze %dma_wait3A_674 : memref<1x128xi32, #tpu.memory_space<vmem>> -> memref<128xi32, #tpu.memory_space<vmem>>
      %dma_wait3A_676 = arith.constant 0 : i32
      %dma_wait3A_677 = arith.constant 0 : i32
      %dma_wait3A_678 = tpu.memref_slice %arg5[%dma_wait3A_676, %dma_wait3A_677] : memref<4096x128xf32, #tpu.memory_space<vmem_shared>> -> memref<4096x128xf32, #tpu.memory_space<vmem_shared>>
      tpu.wait_indirect_dma semaphore(%arg13 : memref<!tpu.dma_semaphore, #tpu.memory_space<semaphore_mem>>) src(%dma_wait3A_678 : memref<4096x128xf32, #tpu.memory_space<vmem_shared>>) dst(%arg9 : memref<128x128xf32, #tpu.memory_space<vmem>>)
      %mul3A_679 = arith.constant 128 : i32
      %mul3A_680 = arith.muli %add3A_612, %mul3A_679 : i32
      %dma_start3A_681 = arith.constant 1 : i32
      %dma_start3A_682 = tpu.memref_slice %arg6[%dma_start3A_681, %mul3A_680] : memref<4x6400xi32, #tpu.memory_space<vmem>> -> memref<1x128xi32, #tpu.memory_space<vmem>>
      %dma_start3A_683 = tpu.memref_squeeze %dma_start3A_682 : memref<1x128xi32, #tpu.memory_space<vmem>> -> memref<128xi32, #tpu.memory_space<vmem>>
      %dma_start3A_684 = arith.constant 0 : i32
      %dma_start3A_685 = arith.constant 0 : i32
      %dma_start3A_686 = tpu.memref_slice %arg5[%dma_start3A_684, %dma_start3A_685] : memref<4096x128xf32, #tpu.memory_space<vmem_shared>> -> memref<4096x128xf32, #tpu.memory_space<vmem_shared>>
      tpu.enqueue_indirect_dma source(%dma_start3A_686 : memref<4096x128xf32, #tpu.memory_space<vmem_shared>>) target(%arg9 : memref<128x128xf32, #tpu.memory_space<vmem>>) offsets(%dma_start3A_683 : memref<128xi32, #tpu.memory_space<vmem>>) semaphore(%arg17 : memref<!tpu.dma_semaphore, #tpu.memory_space<semaphore_mem>>) {add = true}
      %mul3A_687 = arith.constant 128 : i32
      %mul3A_688 = arith.muli %add3A_612, %mul3A_687 : i32
      %dma_start3A_689 = arith.constant 2 : i32
      %dma_start3A_690 = tpu.memref_slice %arg6[%dma_start3A_689, %mul3A_688] : memref<4x6400xi32, #tpu.memory_space<vmem>> -> memref<1x128xi32, #tpu.memory_space<vmem>>
      %dma_start3A_691 = tpu.memref_squeeze %dma_start3A_690 : memref<1x128xi32, #tpu.memory_space<vmem>> -> memref<128xi32, #tpu.memory_space<vmem>>
      %dma_start3A_692 = arith.constant 0 : i32
      %dma_start3A_693 = arith.constant 0 : i32
      %dma_start3A_694 = tpu.memref_slice %arg5[%dma_start3A_692, %dma_start3A_693] : memref<4096x128xf32, #tpu.memory_space<vmem_shared>> -> memref<4096x128xf32, #tpu.memory_space<vmem_shared>>
      tpu.enqueue_indirect_dma source(%dma_start3A_694 : memref<4096x128xf32, #tpu.memory_space<vmem_shared>>) target(%arg9 : memref<128x128xf32, #tpu.memory_space<vmem>>) offsets(%dma_start3A_691 : memref<128xi32, #tpu.memory_space<vmem>>) semaphore(%arg17 : memref<!tpu.dma_semaphore, #tpu.memory_space<semaphore_mem>>) {add = true}
      %mul3A_695 = arith.constant 128 : i32
      %mul3A_696 = arith.muli %add3A_612, %mul3A_695 : i32
      %dma_start3A_697 = arith.constant 3 : i32
      %dma_start3A_698 = tpu.memref_slice %arg6[%dma_start3A_697, %mul3A_696] : memref<4x6400xi32, #tpu.memory_space<vmem>> -> memref<1x128xi32, #tpu.memory_space<vmem>>
      %dma_start3A_699 = tpu.memref_squeeze %dma_start3A_698 : memref<1x128xi32, #tpu.memory_space<vmem>> -> memref<128xi32, #tpu.memory_space<vmem>>
      %dma_start3A_700 = arith.constant 0 : i32
      %dma_start3A_701 = arith.constant 0 : i32
      %dma_start3A_702 = tpu.memref_slice %arg2[%dma_start3A_700, %dma_start3A_701] : memref<4096x128xf32, #tpu.memory_space<hbm>> -> memref<4096x128xf32, #tpu.memory_space<hbm>>
      tpu.enqueue_indirect_dma source(%dma_start3A_702 : memref<4096x128xf32, #tpu.memory_space<hbm>>) target(%arg9 : memref<128x128xf32, #tpu.memory_space<vmem>>) offsets(%dma_start3A_699 : memref<128xi32, #tpu.memory_space<vmem>>) semaphore(%arg25 : memref<!tpu.dma_semaphore, #tpu.memory_space<semaphore_mem>>) {add = true}
      %add3A_703 = arith.constant 3 : i32
      %add3A_704 = arith.addi %mul3A_427, %add3A_703 : i32
      %sub3A_705 = arith.constant 1 : i32
      %sub3A_706 = arith.subi %add3A_704, %sub3A_705 : i32
      %mul3A_707 = arith.constant 128 : i32
      %mul3A_708 = arith.muli %sub3A_706, %mul3A_707 : i32
      %dma_wait3A_709 = arith.constant 1 : i32
      %dma_wait3A_710 = tpu.memref_slice %arg6[%dma_wait3A_709, %mul3A_708] : memref<4x6400xi32, #tpu.memory_space<vmem>> -> memref<1x128xi32, #tpu.memory_space<vmem>>
      %dma_wait3A_711 = tpu.memref_squeeze %dma_wait3A_710 : memref<1x128xi32, #tpu.memory_space<vmem>> -> memref<128xi32, #tpu.memory_space<vmem>>
      %dma_wait3A_712 = arith.constant 0 : i32
      %dma_wait3A_713 = arith.constant 0 : i32
      %dma_wait3A_714 = tpu.memref_slice %arg5[%dma_wait3A_712, %dma_wait3A_713] : memref<4096x128xf32, #tpu.memory_space<vmem_shared>> -> memref<4096x128xf32, #tpu.memory_space<vmem_shared>>
      tpu.wait_indirect_dma semaphore(%arg17 : memref<!tpu.dma_semaphore, #tpu.memory_space<semaphore_mem>>) src(%dma_wait3A_714 : memref<4096x128xf32, #tpu.memory_space<vmem_shared>>) dst(%arg9 : memref<128x128xf32, #tpu.memory_space<vmem>>)
      %sub3A_715 = arith.constant 1 : i32
      %sub3A_716 = arith.subi %add3A_704, %sub3A_715 : i32
      %mul3A_717 = arith.constant 128 : i32
      %mul3A_718 = arith.muli %sub3A_716, %mul3A_717 : i32
      %dma_wait3A_719 = arith.constant 2 : i32
      %dma_wait3A_720 = tpu.memref_slice %arg6[%dma_wait3A_719, %mul3A_718] : memref<4x6400xi32, #tpu.memory_space<vmem>> -> memref<1x128xi32, #tpu.memory_space<vmem>>
      %dma_wait3A_721 = tpu.memref_squeeze %dma_wait3A_720 : memref<1x128xi32, #tpu.memory_space<vmem>> -> memref<128xi32, #tpu.memory_space<vmem>>
      %dma_wait3A_722 = arith.constant 0 : i32
      %dma_wait3A_723 = arith.constant 0 : i32
      %dma_wait3A_724 = tpu.memref_slice %arg5[%dma_wait3A_722, %dma_wait3A_723] : memref<4096x128xf32, #tpu.memory_space<vmem_shared>> -> memref<4096x128xf32, #tpu.memory_space<vmem_shared>>
      tpu.wait_indirect_dma semaphore(%arg17 : memref<!tpu.dma_semaphore, #tpu.memory_space<semaphore_mem>>) src(%dma_wait3A_724 : memref<4096x128xf32, #tpu.memory_space<vmem_shared>>) dst(%arg9 : memref<128x128xf32, #tpu.memory_space<vmem>>)
      %sub3A_725 = arith.constant 1 : i32
      %sub3A_726 = arith.subi %add3A_704, %sub3A_725 : i32
      %mul3A_727 = arith.constant 128 : i32
      %mul3A_728 = arith.muli %sub3A_726, %mul3A_727 : i32
      %dma_wait3A_729 = arith.constant 3 : i32
      %dma_wait3A_730 = tpu.memref_slice %arg6[%dma_wait3A_729, %mul3A_728] : memref<4x6400xi32, #tpu.memory_space<vmem>> -> memref<1x128xi32, #tpu.memory_space<vmem>>
      %dma_wait3A_731 = tpu.memref_squeeze %dma_wait3A_730 : memref<1x128xi32, #tpu.memory_space<vmem>> -> memref<128xi32, #tpu.memory_space<vmem>>
      %dma_wait3A_732 = arith.constant 0 : i32
      %dma_wait3A_733 = arith.constant 0 : i32
      %dma_wait3A_734 = tpu.memref_slice %arg2[%dma_wait3A_732, %dma_wait3A_733] : memref<4096x128xf32, #tpu.memory_space<hbm>> -> memref<4096x128xf32, #tpu.memory_space<hbm>>
      tpu.wait_indirect_dma semaphore(%arg25 : memref<!tpu.dma_semaphore, #tpu.memory_space<semaphore_mem>>) src(%dma_wait3A_734 : memref<4096x128xf32, #tpu.memory_space<hbm>>) dst(%arg9 : memref<128x128xf32, #tpu.memory_space<vmem>>)
      %sub3A_735 = arith.constant 1 : i32
      %sub3A_736 = arith.subi %add3A_704, %sub3A_735 : i32
      %mul3A_737 = arith.constant 128 : i32
      %mul3A_738 = arith.muli %sub3A_736, %mul3A_737 : i32
      %add3A_739 = arith.addi %mul3A_2, %mul3A_738 : i32
      %dma_start3A_740 = arith.constant 0 : i32
      %dma_start3A_741 = tpu.memref_slice %arg4[%add3A_739, %dma_start3A_740] : memref<204800x128xf32, #tpu.memory_space<hbm>> -> memref<128x128xf32, #tpu.memory_space<hbm>>
      %dma_start3A_742 = arith.constant 0 : i32
      %dma_start3A_743 = tpu.memref_slice %arg4[%add3A_739, %dma_start3A_742] : memref<204800x128xf32, #tpu.memory_space<hbm>> -> memref<128x128xf32, #tpu.memory_space<hbm>>
      tpu.enqueue_dma source(%arg9 : memref<128x128xf32, #tpu.memory_space<vmem>>) target(%dma_start3A_743 : memref<128x128xf32, #tpu.memory_space<hbm>>) target_semaphore(%arg21 : memref<!tpu.dma_semaphore, #tpu.memory_space<semaphore_mem>>)
      %sub3A_744 = arith.constant 3 : i32
      %sub3A_745 = arith.subi %add3A_704, %sub3A_744 : i32
      %mul3A_746 = arith.constant 128 : i32
      %mul3A_747 = arith.muli %sub3A_745, %mul3A_746 : i32
      %add3A_748 = arith.addi %mul3A_2, %mul3A_747 : i32
      %dma_wait3A_749 = arith.constant 0 : i32
      %dma_wait3A_750 = tpu.memref_slice %arg4[%add3A_748, %dma_wait3A_749] : memref<204800x128xf32, #tpu.memory_space<hbm>> -> memref<128x128xf32, #tpu.memory_space<hbm>>
      %dma_wait3A_751 = arith.constant 0 : i32
      %dma_wait3A_752 = tpu.memref_slice %arg4[%add3A_748, %dma_wait3A_751] : memref<204800x128xf32, #tpu.memory_space<hbm>> -> memref<128x128xf32, #tpu.memory_space<hbm>>
      tpu.wait_dma2 semaphore(%arg19 : memref<!tpu.dma_semaphore, #tpu.memory_space<semaphore_mem>>) src(%arg7 : memref<128x128xf32, #tpu.memory_space<vmem>>) dst(%dma_wait3A_752 : memref<128x128xf32, #tpu.memory_space<hbm>>)
      %add3A_753 = arith.constant 1 : i32
      %add3A_754 = arith.addi %add3A_704, %add3A_753 : i32
      %mul3A_755 = arith.constant 128 : i32
      %mul3A_756 = arith.muli %add3A_754, %mul3A_755 : i32
      %dma_start3A_757 = arith.constant 0 : i32
      %dma_start3A_758 = tpu.memref_slice %arg6[%dma_start3A_757, %mul3A_756] : memref<4x6400xi32, #tpu.memory_space<vmem>> -> memref<1x128xi32, #tpu.memory_space<vmem>>
      %dma_start3A_759 = tpu.memref_squeeze %dma_start3A_758 : memref<1x128xi32, #tpu.memory_space<vmem>> -> memref<128xi32, #tpu.memory_space<vmem>>
      %dma_start3A_760 = arith.constant 0 : i32
      %dma_start3A_761 = arith.constant 0 : i32
      %dma_start3A_762 = tpu.memref_slice %arg5[%dma_start3A_760, %dma_start3A_761] : memref<4096x128xf32, #tpu.memory_space<vmem_shared>> -> memref<4096x128xf32, #tpu.memory_space<vmem_shared>>
      tpu.enqueue_indirect_dma source(%dma_start3A_762 : memref<4096x128xf32, #tpu.memory_space<vmem_shared>>) target(%arg7 : memref<128x128xf32, #tpu.memory_space<vmem>>) offsets(%dma_start3A_759 : memref<128xi32, #tpu.memory_space<vmem>>) semaphore(%arg11 : memref<!tpu.dma_semaphore, #tpu.memory_space<semaphore_mem>>)
      %mul3A_763 = arith.constant 128 : i32
      %mul3A_764 = arith.muli %add3A_704, %mul3A_763 : i32
      %dma_wait3A_765 = arith.constant 0 : i32
      %dma_wait3A_766 = tpu.memref_slice %arg6[%dma_wait3A_765, %mul3A_764] : memref<4x6400xi32, #tpu.memory_space<vmem>> -> memref<1x128xi32, #tpu.memory_space<vmem>>
      %dma_wait3A_767 = tpu.memref_squeeze %dma_wait3A_766 : memref<1x128xi32, #tpu.memory_space<vmem>> -> memref<128xi32, #tpu.memory_space<vmem>>
      %dma_wait3A_768 = arith.constant 0 : i32
      %dma_wait3A_769 = arith.constant 0 : i32
      %dma_wait3A_770 = tpu.memref_slice %arg5[%dma_wait3A_768, %dma_wait3A_769] : memref<4096x128xf32, #tpu.memory_space<vmem_shared>> -> memref<4096x128xf32, #tpu.memory_space<vmem_shared>>
      tpu.wait_indirect_dma semaphore(%arg14 : memref<!tpu.dma_semaphore, #tpu.memory_space<semaphore_mem>>) src(%dma_wait3A_770 : memref<4096x128xf32, #tpu.memory_space<vmem_shared>>) dst(%arg10 : memref<128x128xf32, #tpu.memory_space<vmem>>)
      %mul3A_771 = arith.constant 128 : i32
      %mul3A_772 = arith.muli %add3A_704, %mul3A_771 : i32
      %dma_start3A_773 = arith.constant 1 : i32
      %dma_start3A_774 = tpu.memref_slice %arg6[%dma_start3A_773, %mul3A_772] : memref<4x6400xi32, #tpu.memory_space<vmem>> -> memref<1x128xi32, #tpu.memory_space<vmem>>
      %dma_start3A_775 = tpu.memref_squeeze %dma_start3A_774 : memref<1x128xi32, #tpu.memory_space<vmem>> -> memref<128xi32, #tpu.memory_space<vmem>>
      %dma_start3A_776 = arith.constant 0 : i32
      %dma_start3A_777 = arith.constant 0 : i32
      %dma_start3A_778 = tpu.memref_slice %arg5[%dma_start3A_776, %dma_start3A_777] : memref<4096x128xf32, #tpu.memory_space<vmem_shared>> -> memref<4096x128xf32, #tpu.memory_space<vmem_shared>>
      tpu.enqueue_indirect_dma source(%dma_start3A_778 : memref<4096x128xf32, #tpu.memory_space<vmem_shared>>) target(%arg10 : memref<128x128xf32, #tpu.memory_space<vmem>>) offsets(%dma_start3A_775 : memref<128xi32, #tpu.memory_space<vmem>>) semaphore(%arg18 : memref<!tpu.dma_semaphore, #tpu.memory_space<semaphore_mem>>) {add = true}
      %mul3A_779 = arith.constant 128 : i32
      %mul3A_780 = arith.muli %add3A_704, %mul3A_779 : i32
      %dma_start3A_781 = arith.constant 2 : i32
      %dma_start3A_782 = tpu.memref_slice %arg6[%dma_start3A_781, %mul3A_780] : memref<4x6400xi32, #tpu.memory_space<vmem>> -> memref<1x128xi32, #tpu.memory_space<vmem>>
      %dma_start3A_783 = tpu.memref_squeeze %dma_start3A_782 : memref<1x128xi32, #tpu.memory_space<vmem>> -> memref<128xi32, #tpu.memory_space<vmem>>
      %dma_start3A_784 = arith.constant 0 : i32
      %dma_start3A_785 = arith.constant 0 : i32
      %dma_start3A_786 = tpu.memref_slice %arg5[%dma_start3A_784, %dma_start3A_785] : memref<4096x128xf32, #tpu.memory_space<vmem_shared>> -> memref<4096x128xf32, #tpu.memory_space<vmem_shared>>
      tpu.enqueue_indirect_dma source(%dma_start3A_786 : memref<4096x128xf32, #tpu.memory_space<vmem_shared>>) target(%arg10 : memref<128x128xf32, #tpu.memory_space<vmem>>) offsets(%dma_start3A_783 : memref<128xi32, #tpu.memory_space<vmem>>) semaphore(%arg18 : memref<!tpu.dma_semaphore, #tpu.memory_space<semaphore_mem>>) {add = true}
      %mul3A_787 = arith.constant 128 : i32
      %mul3A_788 = arith.muli %add3A_704, %mul3A_787 : i32
      %dma_start3A_789 = arith.constant 3 : i32
      %dma_start3A_790 = tpu.memref_slice %arg6[%dma_start3A_789, %mul3A_788] : memref<4x6400xi32, #tpu.memory_space<vmem>> -> memref<1x128xi32, #tpu.memory_space<vmem>>
      %dma_start3A_791 = tpu.memref_squeeze %dma_start3A_790 : memref<1x128xi32, #tpu.memory_space<vmem>> -> memref<128xi32, #tpu.memory_space<vmem>>
      %dma_start3A_792 = arith.constant 0 : i32
      %dma_start3A_793 = arith.constant 0 : i32
      %dma_start3A_794 = tpu.memref_slice %arg2[%dma_start3A_792, %dma_start3A_793] : memref<4096x128xf32, #tpu.memory_space<hbm>> -> memref<4096x128xf32, #tpu.memory_space<hbm>>
      tpu.enqueue_indirect_dma source(%dma_start3A_794 : memref<4096x128xf32, #tpu.memory_space<hbm>>) target(%arg10 : memref<128x128xf32, #tpu.memory_space<vmem>>) offsets(%dma_start3A_791 : memref<128xi32, #tpu.memory_space<vmem>>) semaphore(%arg26 : memref<!tpu.dma_semaphore, #tpu.memory_space<semaphore_mem>>) {add = true}
    }
    %scan3A_250 = arith.constant 11 : i32
    %dma_wait3A_251 = arith.constant 1 : i32
    %dma_wait3A_252 = arith.constant 6016 : i32
    %dma_wait3A_253 = tpu.memref_slice %arg6[%dma_wait3A_251, %dma_wait3A_252] : memref<4x6400xi32, #tpu.memory_space<vmem>> -> memref<1x128xi32, #tpu.memory_space<vmem>>
    %dma_wait3A_254 = tpu.memref_squeeze %dma_wait3A_253 : memref<1x128xi32, #tpu.memory_space<vmem>> -> memref<128xi32, #tpu.memory_space<vmem>>
    %dma_wait3A_255 = arith.constant 0 : i32
    %dma_wait3A_256 = arith.constant 0 : i32
    %dma_wait3A_257 = tpu.memref_slice %arg5[%dma_wait3A_255, %dma_wait3A_256] : memref<4096x128xf32, #tpu.memory_space<vmem_shared>> -> memref<4096x128xf32, #tpu.memory_space<vmem_shared>>
    tpu.wait_indirect_dma semaphore(%arg18 : memref<!tpu.dma_semaphore, #tpu.memory_space<semaphore_mem>>) src(%dma_wait3A_257 : memref<4096x128xf32, #tpu.memory_space<vmem_shared>>) dst(%arg10 : memref<128x128xf32, #tpu.memory_space<vmem>>)
    %dma_wait3A_258 = arith.constant 2 : i32
    %dma_wait3A_259 = arith.constant 6016 : i32
    %dma_wait3A_260 = tpu.memref_slice %arg6[%dma_wait3A_258, %dma_wait3A_259] : memref<4x6400xi32, #tpu.memory_space<vmem>> -> memref<1x128xi32, #tpu.memory_space<vmem>>
    %dma_wait3A_261 = tpu.memref_squeeze %dma_wait3A_260 : memref<1x128xi32, #tpu.memory_space<vmem>> -> memref<128xi32, #tpu.memory_space<vmem>>
    %dma_wait3A_262 = arith.constant 0 : i32
    %dma_wait3A_263 = arith.constant 0 : i32
    %dma_wait3A_264 = tpu.memref_slice %arg5[%dma_wait3A_262, %dma_wait3A_263] : memref<4096x128xf32, #tpu.memory_space<vmem_shared>> -> memref<4096x128xf32, #tpu.memory_space<vmem_shared>>
    tpu.wait_indirect_dma semaphore(%arg18 : memref<!tpu.dma_semaphore, #tpu.memory_space<semaphore_mem>>) src(%dma_wait3A_264 : memref<4096x128xf32, #tpu.memory_space<vmem_shared>>) dst(%arg10 : memref<128x128xf32, #tpu.memory_space<vmem>>)
    %dma_wait3A_265 = arith.constant 3 : i32
    %dma_wait3A_266 = arith.constant 6016 : i32
    %dma_wait3A_267 = tpu.memref_slice %arg6[%dma_wait3A_265, %dma_wait3A_266] : memref<4x6400xi32, #tpu.memory_space<vmem>> -> memref<1x128xi32, #tpu.memory_space<vmem>>
    %dma_wait3A_268 = tpu.memref_squeeze %dma_wait3A_267 : memref<1x128xi32, #tpu.memory_space<vmem>> -> memref<128xi32, #tpu.memory_space<vmem>>
    %dma_wait3A_269 = arith.constant 0 : i32
    %dma_wait3A_270 = arith.constant 0 : i32
    %dma_wait3A_271 = tpu.memref_slice %arg2[%dma_wait3A_269, %dma_wait3A_270] : memref<4096x128xf32, #tpu.memory_space<hbm>> -> memref<4096x128xf32, #tpu.memory_space<hbm>>
    tpu.wait_indirect_dma semaphore(%arg26 : memref<!tpu.dma_semaphore, #tpu.memory_space<semaphore_mem>>) src(%dma_wait3A_271 : memref<4096x128xf32, #tpu.memory_space<hbm>>) dst(%arg10 : memref<128x128xf32, #tpu.memory_space<vmem>>)
    %add3A_272 = arith.constant 6016 : i32
    %add3A_273 = arith.addi %mul3A_2, %add3A_272 : i32
    %dma_start3A_274 = arith.constant 0 : i32
    %dma_start3A_275 = tpu.memref_slice %arg4[%add3A_273, %dma_start3A_274] : memref<204800x128xf32, #tpu.memory_space<hbm>> -> memref<128x128xf32, #tpu.memory_space<hbm>>
    %dma_start3A_276 = arith.constant 0 : i32
    %dma_start3A_277 = tpu.memref_slice %arg4[%add3A_273, %dma_start3A_276] : memref<204800x128xf32, #tpu.memory_space<hbm>> -> memref<128x128xf32, #tpu.memory_space<hbm>>
    tpu.enqueue_dma source(%arg10 : memref<128x128xf32, #tpu.memory_space<vmem>>) target(%dma_start3A_277 : memref<128x128xf32, #tpu.memory_space<hbm>>) target_semaphore(%arg22 : memref<!tpu.dma_semaphore, #tpu.memory_space<semaphore_mem>>)
    %add3A_278 = arith.constant 5760 : i32
    %add3A_279 = arith.addi %mul3A_2, %add3A_278 : i32
    %dma_wait3A_280 = arith.constant 0 : i32
    %dma_wait3A_281 = tpu.memref_slice %arg4[%add3A_279, %dma_wait3A_280] : memref<204800x128xf32, #tpu.memory_space<hbm>> -> memref<128x128xf32, #tpu.memory_space<hbm>>
    %dma_wait3A_282 = arith.constant 0 : i32
    %dma_wait3A_283 = tpu.memref_slice %arg4[%add3A_279, %dma_wait3A_282] : memref<204800x128xf32, #tpu.memory_space<hbm>> -> memref<128x128xf32, #tpu.memory_space<hbm>>
    tpu.wait_dma2 semaphore(%arg20 : memref<!tpu.dma_semaphore, #tpu.memory_space<semaphore_mem>>) src(%arg8 : memref<128x128xf32, #tpu.memory_space<vmem>>) dst(%dma_wait3A_283 : memref<128x128xf32, #tpu.memory_space<hbm>>)
    %dma_start3A_284 = arith.constant 0 : i32
    %dma_start3A_285 = arith.constant 6272 : i32
    %dma_start3A_286 = tpu.memref_slice %arg6[%dma_start3A_284, %dma_start3A_285] : memref<4x6400xi32, #tpu.memory_space<vmem>> -> memref<1x128xi32, #tpu.memory_space<vmem>>
    %dma_start3A_287 = tpu.memref_squeeze %dma_start3A_286 : memref<1x128xi32, #tpu.memory_space<vmem>> -> memref<128xi32, #tpu.memory_space<vmem>>
    %dma_start3A_288 = arith.constant 0 : i32
    %dma_start3A_289 = arith.constant 0 : i32
    %dma_start3A_290 = tpu.memref_slice %arg5[%dma_start3A_288, %dma_start3A_289] : memref<4096x128xf32, #tpu.memory_space<vmem_shared>> -> memref<4096x128xf32, #tpu.memory_space<vmem_shared>>
    tpu.enqueue_indirect_dma source(%dma_start3A_290 : memref<4096x128xf32, #tpu.memory_space<vmem_shared>>) target(%arg8 : memref<128x128xf32, #tpu.memory_space<vmem>>) offsets(%dma_start3A_287 : memref<128xi32, #tpu.memory_space<vmem>>) semaphore(%arg12 : memref<!tpu.dma_semaphore, #tpu.memory_space<semaphore_mem>>)
    %dma_wait3A_291 = arith.constant 0 : i32
    %dma_wait3A_292 = arith.constant 6144 : i32
    %dma_wait3A_293 = tpu.memref_slice %arg6[%dma_wait3A_291, %dma_wait3A_292] : memref<4x6400xi32, #tpu.memory_space<vmem>> -> memref<1x128xi32, #tpu.memory_space<vmem>>
    %dma_wait3A_294 = tpu.memref_squeeze %dma_wait3A_293 : memref<1x128xi32, #tpu.memory_space<vmem>> -> memref<128xi32, #tpu.memory_space<vmem>>
    %dma_wait3A_295 = arith.constant 0 : i32
    %dma_wait3A_296 = arith.constant 0 : i32
    %dma_wait3A_297 = tpu.memref_slice %arg5[%dma_wait3A_295, %dma_wait3A_296] : memref<4096x128xf32, #tpu.memory_space<vmem_shared>> -> memref<4096x128xf32, #tpu.memory_space<vmem_shared>>
    tpu.wait_indirect_dma semaphore(%arg11 : memref<!tpu.dma_semaphore, #tpu.memory_space<semaphore_mem>>) src(%dma_wait3A_297 : memref<4096x128xf32, #tpu.memory_space<vmem_shared>>) dst(%arg7 : memref<128x128xf32, #tpu.memory_space<vmem>>)
    %dma_start3A_298 = arith.constant 1 : i32
    %dma_start3A_299 = arith.constant 6144 : i32
    %dma_start3A_300 = tpu.memref_slice %arg6[%dma_start3A_298, %dma_start3A_299] : memref<4x6400xi32, #tpu.memory_space<vmem>> -> memref<1x128xi32, #tpu.memory_space<vmem>>
    %dma_start3A_301 = tpu.memref_squeeze %dma_start3A_300 : memref<1x128xi32, #tpu.memory_space<vmem>> -> memref<128xi32, #tpu.memory_space<vmem>>
    %dma_start3A_302 = arith.constant 0 : i32
    %dma_start3A_303 = arith.constant 0 : i32
    %dma_start3A_304 = tpu.memref_slice %arg5[%dma_start3A_302, %dma_start3A_303] : memref<4096x128xf32, #tpu.memory_space<vmem_shared>> -> memref<4096x128xf32, #tpu.memory_space<vmem_shared>>
    tpu.enqueue_indirect_dma source(%dma_start3A_304 : memref<4096x128xf32, #tpu.memory_space<vmem_shared>>) target(%arg7 : memref<128x128xf32, #tpu.memory_space<vmem>>) offsets(%dma_start3A_301 : memref<128xi32, #tpu.memory_space<vmem>>) semaphore(%arg15 : memref<!tpu.dma_semaphore, #tpu.memory_space<semaphore_mem>>) {add = true}
    %dma_start3A_305 = arith.constant 2 : i32
    %dma_start3A_306 = arith.constant 6144 : i32
    %dma_start3A_307 = tpu.memref_slice %arg6[%dma_start3A_305, %dma_start3A_306] : memref<4x6400xi32, #tpu.memory_space<vmem>> -> memref<1x128xi32, #tpu.memory_space<vmem>>
    %dma_start3A_308 = tpu.memref_squeeze %dma_start3A_307 : memref<1x128xi32, #tpu.memory_space<vmem>> -> memref<128xi32, #tpu.memory_space<vmem>>
    %dma_start3A_309 = arith.constant 0 : i32
    %dma_start3A_310 = arith.constant 0 : i32
    %dma_start3A_311 = tpu.memref_slice %arg5[%dma_start3A_309, %dma_start3A_310] : memref<4096x128xf32, #tpu.memory_space<vmem_shared>> -> memref<4096x128xf32, #tpu.memory_space<vmem_shared>>
    tpu.enqueue_indirect_dma source(%dma_start3A_311 : memref<4096x128xf32, #tpu.memory_space<vmem_shared>>) target(%arg7 : memref<128x128xf32, #tpu.memory_space<vmem>>) offsets(%dma_start3A_308 : memref<128xi32, #tpu.memory_space<vmem>>) semaphore(%arg15 : memref<!tpu.dma_semaphore, #tpu.memory_space<semaphore_mem>>) {add = true}
    %dma_start3A_312 = arith.constant 3 : i32
    %dma_start3A_313 = arith.constant 6144 : i32
    %dma_start3A_314 = tpu.memref_slice %arg6[%dma_start3A_312, %dma_start3A_313] : memref<4x6400xi32, #tpu.memory_space<vmem>> -> memref<1x128xi32, #tpu.memory_space<vmem>>
    %dma_start3A_315 = tpu.memref_squeeze %dma_start3A_314 : memref<1x128xi32, #tpu.memory_space<vmem>> -> memref<128xi32, #tpu.memory_space<vmem>>
    %dma_start3A_316 = arith.constant 0 : i32
    %dma_start3A_317 = arith.constant 0 : i32
    %dma_start3A_318 = tpu.memref_slice %arg2[%dma_start3A_316, %dma_start3A_317] : memref<4096x128xf32, #tpu.memory_space<hbm>> -> memref<4096x128xf32, #tpu.memory_space<hbm>>
    tpu.enqueue_indirect_dma source(%dma_start3A_318 : memref<4096x128xf32, #tpu.memory_space<hbm>>) target(%arg7 : memref<128x128xf32, #tpu.memory_space<vmem>>) offsets(%dma_start3A_315 : memref<128xi32, #tpu.memory_space<vmem>>) semaphore(%arg23 : memref<!tpu.dma_semaphore, #tpu.memory_space<semaphore_mem>>) {add = true}
    %dma_wait3A_319 = arith.constant 1 : i32
    %dma_wait3A_320 = arith.constant 6144 : i32
    %dma_wait3A_321 = tpu.memref_slice %arg6[%dma_wait3A_319, %dma_wait3A_320] : memref<4x6400xi32, #tpu.memory_space<vmem>> -> memref<1x128xi32, #tpu.memory_space<vmem>>
    %dma_wait3A_322 = tpu.memref_squeeze %dma_wait3A_321 : memref<1x128xi32, #tpu.memory_space<vmem>> -> memref<128xi32, #tpu.memory_space<vmem>>
    %dma_wait3A_323 = arith.constant 0 : i32
    %dma_wait3A_324 = arith.constant 0 : i32
    %dma_wait3A_325 = tpu.memref_slice %arg5[%dma_wait3A_323, %dma_wait3A_324] : memref<4096x128xf32, #tpu.memory_space<vmem_shared>> -> memref<4096x128xf32, #tpu.memory_space<vmem_shared>>
    tpu.wait_indirect_dma semaphore(%arg15 : memref<!tpu.dma_semaphore, #tpu.memory_space<semaphore_mem>>) src(%dma_wait3A_325 : memref<4096x128xf32, #tpu.memory_space<vmem_shared>>) dst(%arg7 : memref<128x128xf32, #tpu.memory_space<vmem>>)
    %dma_wait3A_326 = arith.constant 2 : i32
    %dma_wait3A_327 = arith.constant 6144 : i32
    %dma_wait3A_328 = tpu.memref_slice %arg6[%dma_wait3A_326, %dma_wait3A_327] : memref<4x6400xi32, #tpu.memory_space<vmem>> -> memref<1x128xi32, #tpu.memory_space<vmem>>
    %dma_wait3A_329 = tpu.memref_squeeze %dma_wait3A_328 : memref<1x128xi32, #tpu.memory_space<vmem>> -> memref<128xi32, #tpu.memory_space<vmem>>
    %dma_wait3A_330 = arith.constant 0 : i32
    %dma_wait3A_331 = arith.constant 0 : i32
    %dma_wait3A_332 = tpu.memref_slice %arg5[%dma_wait3A_330, %dma_wait3A_331] : memref<4096x128xf32, #tpu.memory_space<vmem_shared>> -> memref<4096x128xf32, #tpu.memory_space<vmem_shared>>
    tpu.wait_indirect_dma semaphore(%arg15 : memref<!tpu.dma_semaphore, #tpu.memory_space<semaphore_mem>>) src(%dma_wait3A_332 : memref<4096x128xf32, #tpu.memory_space<vmem_shared>>) dst(%arg7 : memref<128x128xf32, #tpu.memory_space<vmem>>)
    %dma_wait3A_333 = arith.constant 3 : i32
    %dma_wait3A_334 = arith.constant 6144 : i32
    %dma_wait3A_335 = tpu.memref_slice %arg6[%dma_wait3A_333, %dma_wait3A_334] : memref<4x6400xi32, #tpu.memory_space<vmem>> -> memref<1x128xi32, #tpu.memory_space<vmem>>
    %dma_wait3A_336 = tpu.memref_squeeze %dma_wait3A_335 : memref<1x128xi32, #tpu.memory_space<vmem>> -> memref<128xi32, #tpu.memory_space<vmem>>
    %dma_wait3A_337 = arith.constant 0 : i32
    %dma_wait3A_338 = arith.constant 0 : i32
    %dma_wait3A_339 = tpu.memref_slice %arg2[%dma_wait3A_337, %dma_wait3A_338] : memref<4096x128xf32, #tpu.memory_space<hbm>> -> memref<4096x128xf32, #tpu.memory_space<hbm>>
    tpu.wait_indirect_dma semaphore(%arg23 : memref<!tpu.dma_semaphore, #tpu.memory_space<semaphore_mem>>) src(%dma_wait3A_339 : memref<4096x128xf32, #tpu.memory_space<hbm>>) dst(%arg7 : memref<128x128xf32, #tpu.memory_space<vmem>>)
    %add3A_340 = arith.constant 6144 : i32
    %add3A_341 = arith.addi %mul3A_2, %add3A_340 : i32
    %dma_start3A_342 = arith.constant 0 : i32
    %dma_start3A_343 = tpu.memref_slice %arg4[%add3A_341, %dma_start3A_342] : memref<204800x128xf32, #tpu.memory_space<hbm>> -> memref<128x128xf32, #tpu.memory_space<hbm>>
    %dma_start3A_344 = arith.constant 0 : i32
    %dma_start3A_345 = tpu.memref_slice %arg4[%add3A_341, %dma_start3A_344] : memref<204800x128xf32, #tpu.memory_space<hbm>> -> memref<128x128xf32, #tpu.memory_space<hbm>>
    tpu.enqueue_dma source(%arg7 : memref<128x128xf32, #tpu.memory_space<vmem>>) target(%dma_start3A_345 : memref<128x128xf32, #tpu.memory_space<hbm>>) target_semaphore(%arg19 : memref<!tpu.dma_semaphore, #tpu.memory_space<semaphore_mem>>)
    %add3A_346 = arith.constant 5888 : i32
    %add3A_347 = arith.addi %mul3A_2, %add3A_346 : i32
    %dma_wait3A_348 = arith.constant 0 : i32
    %dma_wait3A_349 = tpu.memref_slice %arg4[%add3A_347, %dma_wait3A_348] : memref<204800x128xf32, #tpu.memory_space<hbm>> -> memref<128x128xf32, #tpu.memory_space<hbm>>
    %dma_wait3A_350 = arith.constant 0 : i32
    %dma_wait3A_351 = tpu.memref_slice %arg4[%add3A_347, %dma_wait3A_350] : memref<204800x128xf32, #tpu.memory_space<hbm>> -> memref<128x128xf32, #tpu.memory_space<hbm>>
    tpu.wait_dma2 semaphore(%arg21 : memref<!tpu.dma_semaphore, #tpu.memory_space<semaphore_mem>>) src(%arg9 : memref<128x128xf32, #tpu.memory_space<vmem>>) dst(%dma_wait3A_351 : memref<128x128xf32, #tpu.memory_space<hbm>>)
    %dma_wait3A_352 = arith.constant 0 : i32
    %dma_wait3A_353 = arith.constant 6272 : i32
    %dma_wait3A_354 = tpu.memref_slice %arg6[%dma_wait3A_352, %dma_wait3A_353] : memref<4x6400xi32, #tpu.memory_space<vmem>> -> memref<1x128xi32, #tpu.memory_space<vmem>>
    %dma_wait3A_355 = tpu.memref_squeeze %dma_wait3A_354 : memref<1x128xi32, #tpu.memory_space<vmem>> -> memref<128xi32, #tpu.memory_space<vmem>>
    %dma_wait3A_356 = arith.constant 0 : i32
    %dma_wait3A_357 = arith.constant 0 : i32
    %dma_wait3A_358 = tpu.memref_slice %arg5[%dma_wait3A_356, %dma_wait3A_357] : memref<4096x128xf32, #tpu.memory_space<vmem_shared>> -> memref<4096x128xf32, #tpu.memory_space<vmem_shared>>
    tpu.wait_indirect_dma semaphore(%arg12 : memref<!tpu.dma_semaphore, #tpu.memory_space<semaphore_mem>>) src(%dma_wait3A_358 : memref<4096x128xf32, #tpu.memory_space<vmem_shared>>) dst(%arg8 : memref<128x128xf32, #tpu.memory_space<vmem>>)
    %dma_start3A_359 = arith.constant 1 : i32
    %dma_start3A_360 = arith.constant 6272 : i32
    %dma_start3A_361 = tpu.memref_slice %arg6[%dma_start3A_359, %dma_start3A_360] : memref<4x6400xi32, #tpu.memory_space<vmem>> -> memref<1x128xi32, #tpu.memory_space<vmem>>
    %dma_start3A_362 = tpu.memref_squeeze %dma_start3A_361 : memref<1x128xi32, #tpu.memory_space<vmem>> -> memref<128xi32, #tpu.memory_space<vmem>>
    %dma_start3A_363 = arith.constant 0 : i32
    %dma_start3A_364 = arith.constant 0 : i32
    %dma_start3A_365 = tpu.memref_slice %arg5[%dma_start3A_363, %dma_start3A_364] : memref<4096x128xf32, #tpu.memory_space<vmem_shared>> -> memref<4096x128xf32, #tpu.memory_space<vmem_shared>>
    tpu.enqueue_indirect_dma source(%dma_start3A_365 : memref<4096x128xf32, #tpu.memory_space<vmem_shared>>) target(%arg8 : memref<128x128xf32, #tpu.memory_space<vmem>>) offsets(%dma_start3A_362 : memref<128xi32, #tpu.memory_space<vmem>>) semaphore(%arg16 : memref<!tpu.dma_semaphore, #tpu.memory_space<semaphore_mem>>) {add = true}
    %dma_start3A_366 = arith.constant 2 : i32
    %dma_start3A_367 = arith.constant 6272 : i32
    %dma_start3A_368 = tpu.memref_slice %arg6[%dma_start3A_366, %dma_start3A_367] : memref<4x6400xi32, #tpu.memory_space<vmem>> -> memref<1x128xi32, #tpu.memory_space<vmem>>
    %dma_start3A_369 = tpu.memref_squeeze %dma_start3A_368 : memref<1x128xi32, #tpu.memory_space<vmem>> -> memref<128xi32, #tpu.memory_space<vmem>>
    %dma_start3A_370 = arith.constant 0 : i32
    %dma_start3A_371 = arith.constant 0 : i32
    %dma_start3A_372 = tpu.memref_slice %arg5[%dma_start3A_370, %dma_start3A_371] : memref<4096x128xf32, #tpu.memory_space<vmem_shared>> -> memref<4096x128xf32, #tpu.memory_space<vmem_shared>>
    tpu.enqueue_indirect_dma source(%dma_start3A_372 : memref<4096x128xf32, #tpu.memory_space<vmem_shared>>) target(%arg8 : memref<128x128xf32, #tpu.memory_space<vmem>>) offsets(%dma_start3A_369 : memref<128xi32, #tpu.memory_space<vmem>>) semaphore(%arg16 : memref<!tpu.dma_semaphore, #tpu.memory_space<semaphore_mem>>) {add = true}
    %dma_start3A_373 = arith.constant 3 : i32
    %dma_start3A_374 = arith.constant 6272 : i32
    %dma_start3A_375 = tpu.memref_slice %arg6[%dma_start3A_373, %dma_start3A_374] : memref<4x6400xi32, #tpu.memory_space<vmem>> -> memref<1x128xi32, #tpu.memory_space<vmem>>
    %dma_start3A_376 = tpu.memref_squeeze %dma_start3A_375 : memref<1x128xi32, #tpu.memory_space<vmem>> -> memref<128xi32, #tpu.memory_space<vmem>>
    %dma_start3A_377 = arith.constant 0 : i32
    %dma_start3A_378 = arith.constant 0 : i32
    %dma_start3A_379 = tpu.memref_slice %arg2[%dma_start3A_377, %dma_start3A_378] : memref<4096x128xf32, #tpu.memory_space<hbm>> -> memref<4096x128xf32, #tpu.memory_space<hbm>>
    tpu.enqueue_indirect_dma source(%dma_start3A_379 : memref<4096x128xf32, #tpu.memory_space<hbm>>) target(%arg8 : memref<128x128xf32, #tpu.memory_space<vmem>>) offsets(%dma_start3A_376 : memref<128xi32, #tpu.memory_space<vmem>>) semaphore(%arg24 : memref<!tpu.dma_semaphore, #tpu.memory_space<semaphore_mem>>) {add = true}
    %dma_wait3A_380 = arith.constant 1 : i32
    %dma_wait3A_381 = arith.constant 6272 : i32
    %dma_wait3A_382 = tpu.memref_slice %arg6[%dma_wait3A_380, %dma_wait3A_381] : memref<4x6400xi32, #tpu.memory_space<vmem>> -> memref<1x128xi32, #tpu.memory_space<vmem>>
    %dma_wait3A_383 = tpu.memref_squeeze %dma_wait3A_382 : memref<1x128xi32, #tpu.memory_space<vmem>> -> memref<128xi32, #tpu.memory_space<vmem>>
    %dma_wait3A_384 = arith.constant 0 : i32
    %dma_wait3A_385 = arith.constant 0 : i32
    %dma_wait3A_386 = tpu.memref_slice %arg5[%dma_wait3A_384, %dma_wait3A_385] : memref<4096x128xf32, #tpu.memory_space<vmem_shared>> -> memref<4096x128xf32, #tpu.memory_space<vmem_shared>>
    tpu.wait_indirect_dma semaphore(%arg16 : memref<!tpu.dma_semaphore, #tpu.memory_space<semaphore_mem>>) src(%dma_wait3A_386 : memref<4096x128xf32, #tpu.memory_space<vmem_shared>>) dst(%arg8 : memref<128x128xf32, #tpu.memory_space<vmem>>)
    %dma_wait3A_387 = arith.constant 2 : i32
    %dma_wait3A_388 = arith.constant 6272 : i32
    %dma_wait3A_389 = tpu.memref_slice %arg6[%dma_wait3A_387, %dma_wait3A_388] : memref<4x6400xi32, #tpu.memory_space<vmem>> -> memref<1x128xi32, #tpu.memory_space<vmem>>
    %dma_wait3A_390 = tpu.memref_squeeze %dma_wait3A_389 : memref<1x128xi32, #tpu.memory_space<vmem>> -> memref<128xi32, #tpu.memory_space<vmem>>
    %dma_wait3A_391 = arith.constant 0 : i32
    %dma_wait3A_392 = arith.constant 0 : i32
    %dma_wait3A_393 = tpu.memref_slice %arg5[%dma_wait3A_391, %dma_wait3A_392] : memref<4096x128xf32, #tpu.memory_space<vmem_shared>> -> memref<4096x128xf32, #tpu.memory_space<vmem_shared>>
    tpu.wait_indirect_dma semaphore(%arg16 : memref<!tpu.dma_semaphore, #tpu.memory_space<semaphore_mem>>) src(%dma_wait3A_393 : memref<4096x128xf32, #tpu.memory_space<vmem_shared>>) dst(%arg8 : memref<128x128xf32, #tpu.memory_space<vmem>>)
    %dma_wait3A_394 = arith.constant 3 : i32
    %dma_wait3A_395 = arith.constant 6272 : i32
    %dma_wait3A_396 = tpu.memref_slice %arg6[%dma_wait3A_394, %dma_wait3A_395] : memref<4x6400xi32, #tpu.memory_space<vmem>> -> memref<1x128xi32, #tpu.memory_space<vmem>>
    %dma_wait3A_397 = tpu.memref_squeeze %dma_wait3A_396 : memref<1x128xi32, #tpu.memory_space<vmem>> -> memref<128xi32, #tpu.memory_space<vmem>>
    %dma_wait3A_398 = arith.constant 0 : i32
    %dma_wait3A_399 = arith.constant 0 : i32
    %dma_wait3A_400 = tpu.memref_slice %arg2[%dma_wait3A_398, %dma_wait3A_399] : memref<4096x128xf32, #tpu.memory_space<hbm>> -> memref<4096x128xf32, #tpu.memory_space<hbm>>
    tpu.wait_indirect_dma semaphore(%arg24 : memref<!tpu.dma_semaphore, #tpu.memory_space<semaphore_mem>>) src(%dma_wait3A_400 : memref<4096x128xf32, #tpu.memory_space<hbm>>) dst(%arg8 : memref<128x128xf32, #tpu.memory_space<vmem>>)
    %add3A_401 = arith.constant 6272 : i32
    %add3A_402 = arith.addi %mul3A_2, %add3A_401 : i32
    %dma_start3A_403 = arith.constant 0 : i32
    %dma_start3A_404 = tpu.memref_slice %arg4[%add3A_402, %dma_start3A_403] : memref<204800x128xf32, #tpu.memory_space<hbm>> -> memref<128x128xf32, #tpu.memory_space<hbm>>
    %dma_start3A_405 = arith.constant 0 : i32
    %dma_start3A_406 = tpu.memref_slice %arg4[%add3A_402, %dma_start3A_405] : memref<204800x128xf32, #tpu.memory_space<hbm>> -> memref<128x128xf32, #tpu.memory_space<hbm>>
    tpu.enqueue_dma source(%arg8 : memref<128x128xf32, #tpu.memory_space<vmem>>) target(%dma_start3A_406 : memref<128x128xf32, #tpu.memory_space<hbm>>) target_semaphore(%arg20 : memref<!tpu.dma_semaphore, #tpu.memory_space<semaphore_mem>>)
    %add3A_407 = arith.constant 6016 : i32
    %add3A_408 = arith.addi %mul3A_2, %add3A_407 : i32
    %dma_wait3A_409 = arith.constant 0 : i32
    %dma_wait3A_410 = tpu.memref_slice %arg4[%add3A_408, %dma_wait3A_409] : memref<204800x128xf32, #tpu.memory_space<hbm>> -> memref<128x128xf32, #tpu.memory_space<hbm>>
    %dma_wait3A_411 = arith.constant 0 : i32
    %dma_wait3A_412 = tpu.memref_slice %arg4[%add3A_408, %dma_wait3A_411] : memref<204800x128xf32, #tpu.memory_space<hbm>> -> memref<128x128xf32, #tpu.memory_space<hbm>>
    tpu.wait_dma2 semaphore(%arg22 : memref<!tpu.dma_semaphore, #tpu.memory_space<semaphore_mem>>) src(%arg10 : memref<128x128xf32, #tpu.memory_space<vmem>>) dst(%dma_wait3A_412 : memref<128x128xf32, #tpu.memory_space<hbm>>)
    %add3A_413 = arith.constant 6144 : i32
    %add3A_414 = arith.addi %mul3A_2, %add3A_413 : i32
    %dma_wait3A_415 = arith.constant 0 : i32
    %dma_wait3A_416 = tpu.memref_slice %arg4[%add3A_414, %dma_wait3A_415] : memref<204800x128xf32, #tpu.memory_space<hbm>> -> memref<128x128xf32, #tpu.memory_space<hbm>>
    %dma_wait3A_417 = arith.constant 0 : i32
    %dma_wait3A_418 = tpu.memref_slice %arg4[%add3A_414, %dma_wait3A_417] : memref<204800x128xf32, #tpu.memory_space<hbm>> -> memref<128x128xf32, #tpu.memory_space<hbm>>
    tpu.wait_dma2 semaphore(%arg19 : memref<!tpu.dma_semaphore, #tpu.memory_space<semaphore_mem>>) src(%arg7 : memref<128x128xf32, #tpu.memory_space<vmem>>) dst(%dma_wait3A_418 : memref<128x128xf32, #tpu.memory_space<hbm>>)
    %add3A_419 = arith.constant 6272 : i32
    %add3A_420 = arith.addi %mul3A_2, %add3A_419 : i32
    %dma_wait3A_421 = arith.constant 0 : i32
    %dma_wait3A_422 = tpu.memref_slice %arg4[%add3A_420, %dma_wait3A_421] : memref<204800x128xf32, #tpu.memory_space<hbm>> -> memref<128x128xf32, #tpu.memory_space<hbm>>
    %dma_wait3A_423 = arith.constant 0 : i32
    %dma_wait3A_424 = tpu.memref_slice %arg4[%add3A_420, %dma_wait3A_423] : memref<204800x128xf32, #tpu.memory_space<hbm>> -> memref<128x128xf32, #tpu.memory_space<hbm>>
    tpu.wait_dma2 semaphore(%arg20 : memref<!tpu.dma_semaphore, #tpu.memory_space<semaphore_mem>>) src(%arg8 : memref<128x128xf32, #tpu.memory_space<vmem>>) dst(%dma_wait3A_424 : memref<128x128xf32, #tpu.memory_space<hbm>>)
    return
  }
}

</mosaic_0001>

<sc_bundles>
// kernel: kernel.3.cloned.1.call-start
scs
__scs_entry_jumppad:
0x0: {  	(pc) =	sbr.rel $0x88, $3  }
0x1: {  	(tag) =	ssettag $0x0;
	lr =	simm.s32 $0x1  }
0x2: {  	[smem:$0x3F9C] =	sst lr;
	_ =	strace $0xD0000000  }
0x3: {  	_ = 	snop  }
0x4: {  	_ = 	snop  }
0x5: {  	_ = 	snop  }
0x6: {  	_ = 	snop  }
0x7: {  	_ = 	snop  }
__scs_overlays_trampoline_lowered:
0x8: {  	[smem:$0x3FAB] =	sst s0  }
0x9: {  	[smem:$0x3FAC] =	sst s1  }
0xa: {  	[smem:$0x3FAD] =	sst s2  }
0xb: {  	[smem:$0x3FAE] =	sst s3  }
0xc: {  	[smem:$0x3FAF] =	sst s4  }
0xd: {  	[smem:$0x3FB0] =	sst s5  }
0xe: {  	[smem:$0x3FB1] =	sst s6  }
0xf: {  	[smem:$0x3FB2] =	sst s7  }
0x10: {  	[smem:$0x3FB3] =	sst s8  }
0x11: {  	[smem:$0x3FB4] =	sst s9;
	s0 =	simm.s32 @!p0 $0x0  }
0x12: {  	s1 =	sld [smem:$0x3F9A];
	s0 =	simm.s32 @p0 $0x1  }
0x13: {  	[smem:$0x3FB5] =	sst s0;
	s0 =	simm.s32 @!p1 $0x0  }
0x14: {  	s2 =	sld [smem:$0x3F99];
	s0 =	simm.s32 @p1 $0x1  }
0x15: {  	[smem:$0x3FB6] =	sst s0;
	s0 =	simm.s32 @!p2 $0x0  }
0x16: {  	s3 =	sld [smem:$0x3FDB];
	s0 =	simm.s32 @p2 $0x1  }
0x17: {  	s4 =	simm.s32 $0x1BF5;
	[smem:$0x3FB8] =	sst s0  }
0x18: {  	s0 =	sld [smem:$0x3F9B];
	_ =	swait.ge [sflag:s4], $0x0  }
0x19: {  	s7 =	sld [smem:$0x3F9C]  }
0x1a: {  	s8 =	sadd.s32 $0xFFFFE003, lr  }
0x1b: {  	s9 =	sadd.s32 $0xFFFFFEF7, lr;
	s5 =	simm.s32 $0xFFFFFFFF;
	p2 =	slt.u32 s8, $0xFFFFF086  }
0x1c: {  	p1 =	slt.u32 s9, $0xF7A;
	s5 =	simm.s32 @!p2 $0x0  }
0x1d: {  	s5 =	simm.s32 @p1 $0x1;
	p0 =	seq.s32 s7, s2  }
0x1e: {  	s7 =	smul.u32 @!p0 $0xF7A, s2;
	p2 =	seq.s32 @!p0 s5, $0x0  }
0x1f: {  	s9 =	smul.u32 $0xF7A, s1;
	s8 =	simm.s32 @!p0 $0x1BF5;
	p2 =	por !p2, p0  }
0x20: {  	[sflag:s8] =	ssyncset.s32 @!p0 $0xFFFFF086;
	s6 =	sadd.s32 @!p0 s3, s7;
	s7 =	simm.s32 @!p0 $0x108  }
0x21: {  	s3 =	sadd.s32 s3, s9;
	s6 =	sadd.s32 @!p0 $0x88, s6;
	s7 =	simm.s32 @p2 $0x1082  }
0x22: {  	[simem:s7], [sflag:s8] =	dma.local @!p0 [hbm:s6], $0xF7A  }
0x23: {  	s9 =	sor.u32 $0xD0000000, s2;
	s6 =	simm.s32 $0x108;
	_ =	swait.ge @!p0 [sflag:s8], $0x0  }
0x24: {  	s3 =	sadd.s32 $0x88, s3;
	s6 =	simm.s32 @!p1 $0x1082;
	[sflag:s4] =	ssyncset.s32 $0xFFFFF086  }
0x25: {  	[simem:s6], [sflag:s4] =	dma.local [hbm:s3], $0xF7A  }
0x26: {  	[smem:$0x3F9C] =	sst s1;
	(tag) =	ssettag s2;
	_ =	strace s9  }
0x27: {  	s1 =	sld [smem:$0x3FAC]  }
0x28: {  	s2 =	sld [smem:$0x3FAD]  }
0x29: {  	s4 =	sld [smem:$0x3FAF]  }
0x2a: {  	p0 =	seq.s32 s5, $0x0;
	s5 =	sld [smem:$0x3FB0]  }
0x2b: {  	s6 =	sld [smem:$0x3FB1]  }
0x2c: {  	s7 =	sld [smem:$0x3FB2]  }
0x2d: {  	s3 =	simm.s32 $0x108;
	s8 =	sld [smem:$0x3FB3]  }
0x2e: {  	s3 =	simm.s32 @!p0 $0x1082;
	s9 =	sld [smem:$0x3FB4]  }
0x2f: {  	lr =	sadd.s32 s0, s3;
	s0 =	sld [smem:$0x3FAB]  }
0x30: {  	s3 =	sld [smem:$0x3FAE]  }
0x31: {  	[smem:$0x3FB7] =	sst s10  }
0x32: {  	s10 =	sld [smem:$0x3FB5];
	_ =	sdelay $0x3  }
0x33: {  	p0 =	seq.s32 s10, $0x1;
	s10 =	sld [smem:$0x3FB7];
	_ =	sdelay $0x3  }
0x34: {  	[smem:$0x3FB7] =	sst s10  }
0x35: {  	s10 =	sld [smem:$0x3FB6];
	_ =	sdelay $0x3  }
0x36: {  	p1 =	seq.s32 s10, $0x1;
	s10 =	sld [smem:$0x3FB7];
	_ =	sdelay $0x3  }
0x37: {  	[smem:$0x3FB7] =	sst s10  }
0x38: {  	s10 =	sld [smem:$0x3FB8]  }
0x39: {  	_ = 	snop;
	(pc) =	sbr.ind lr, $3  }
0x3a: {  	_ = 	snop  }
0x3b: {  	_ = 	snop  }
0x3c: {  	p2 =	seq.s32 s10, $0x1;
	s10 =	sld [smem:$0x3FB7]  }
0x3d: {  	_ =	shalt  }
0x3e: {  	_ =	shalt  }
0x3f: {  	_ =	shalt  }
0x40: {  	_ =	shalt  }
0x41: {  	_ =	shalt  }
0x42: {  	_ =	shalt  }
0x43: {  	_ =	shalt  }
0x44: {  	_ =	shalt  }
0x45: {  	_ =	shalt  }
0x46: {  	_ =	shalt  }
0x47: {  	_ =	shalt  }
0x48: {  	_ =	shalt  }
0x49: {  	_ =	shalt  }
0x4a: {  	_ =	shalt  }
0x4b: {  	_ =	shalt  }
0x4c: {  	_ =	shalt  }
0x4d: {  	_ =	shalt  }
0x4e: {  	_ =	shalt  }
0x4f: {  	_ =	shalt  }
0x50: {  	_ =	shalt  }
0x51: {  	_ =	shalt  }
0x52: {  	_ =	shalt  }
0x53: {  	_ =	shalt  }
0x54: {  	_ =	shalt  }
0x55: {  	_ =	shalt  }
0x56: {  	_ =	shalt  }
0x57: {  	_ =	shalt  }
0x58: {  	_ =	shalt  }
0x59: {  	_ =	shalt  }
0x5a: {  	_ =	shalt  }
0x5b: {  	_ =	shalt  }
0x5c: {  	_ =	shalt  }
0x5d: {  	_ =	shalt  }
0x5e: {  	_ =	shalt  }
0x5f: {  	_ =	shalt  }
0x60: {  	_ =	shalt  }
0x61: {  	_ =	shalt  }
0x62: {  	_ =	shalt  }
0x63: {  	_ =	shalt  }
0x64: {  	_ =	shalt  }
0x65: {  	_ =	shalt  }
0x66: {  	_ =	shalt  }
0x67: {  	_ =	shalt  }
0x68: {  	_ =	shalt  }
0x69: {  	_ =	shalt  }
0x6a: {  	_ =	shalt  }
0x6b: {  	_ =	shalt  }
0x6c: {  	_ =	shalt  }
0x6d: {  	_ =	shalt  }
0x6e: {  	_ =	shalt  }
0x6f: {  	_ =	shalt  }
0x70: {  	_ =	shalt  }
0x71: {  	_ =	shalt  }
0x72: {  	_ =	shalt  }
0x73: {  	_ =	shalt  }
0x74: {  	_ =	shalt  }
0x75: {  	_ =	shalt  }
0x76: {  	_ =	shalt  }
0x77: {  	_ =	shalt  }
0x78: {  	_ =	shalt  }
0x79: {  	_ =	shalt  }
0x7a: {  	_ =	shalt  }
0x7b: {  	_ =	shalt  }
0x7c: {  	_ =	shalt  }
0x7d: {  	_ =	shalt  }
0x7e: {  	_ =	shalt  }
0x7f: {  	_ =	shalt  }
0x80: {  	_ =	shalt  }
0x81: {  	_ =	shalt  }
0x82: {  	_ =	shalt  }
0x83: {  	_ =	shalt  }
0x84: {  	_ =	shalt  }
0x85: {  	_ =	shalt  }
0x86: {  	_ =	shalt  }
0x87: {  	_ =	shalt  }
.Lfunc_end0:
.L_simem_size_0:
called_computation_lowered:
.L_overlay_start_0:
0x88: {  	s2 =	sld [smem:$0x3FD9]  }
0x89: {  	s3 =	sld [smem:$0x3FFE];
	_ =	sdelay $0x1  }
0x8a: {  	s1 =	srdreg.scid  }
0x8b: {  	s0 =	sand.u32 $0x1, s1  }
0x8c: {  	s17 =	sshll.u32 s0, $0xA;
	s2 =	sadd.s32 s3, s2  }
0x8d: {  	s2 =	sadd.s32 s2, s17  }
0x8e: {  	[smem:$0x3FC3] =	sst s2  }
0x8f: {  	_ = 	snop  }
0x90: {  	s2 =	sld [smem:$0x3FD0];
	(tm) =	ssettm $0x1  }
0x91: {  	s18 =	sld [smem:$0x3FFB];
	_ =	sdelay $0x3  }
0x92: {  	_ =	strace s18  }
0x93: {  	s3 =	sld [smem:$0x3FFC];
	_ =	sdelay $0x3  }
0x94: {  	_ =	strace s3  }
0x95: {  	s3 =	sld [smem:$0x3FFD];
	_ =	sdelay $0x3  }
0x96: {  	_ =	strace s3  }
0x97: {  	_ =	strace $0x8FFFFFFF  }
0x98: {  	s19 =	sld [smem:$0x3FDB];
	_ =	sdelay $0x1  }
0x99: {  	s4 =	simm.s32 $_scs_section_size  }
0x9a: {  	s5 =	simm.s32 $_size__tile_overlayer_lowered;
	s6 =	simm.s32 $_tile_overlayer_lowered  }
0x9b: {  	s22 =	simm.s32 $0x1BFF;
	s21 =	sshll.u32 s6, $0x1;
	s3 =	sadd.s32 s4, s19  }
0x9c: {  	s7 =	simm.s32 $0x0;
	s20 =	sshll.u32 s5, $0x1;
	s5 =	sadd.s32 s21, s3  }
0x9d: {  	[timem:s7], [sflag:s22] =	dma.local [hbm:s5], s20  }
0x9e: {  	_ =	swait.ge [sflag:s22], s20  }
0x9f: {  	s4 =	ssub.s32 $0x0, s20;
	[sflag:s22] =	ssyncset.done $0x0  }
0xa0: {  	[sflag:s22] =	ssyncadd.s32 s4;
	_ =	sdelay $0x1  }
0xa1: {  	s23 =	simm.s32 $0x1B8B  }
0xa2: {  	_ =	swait.ge [sflag:s23], $0x1  }
0xa3: {  	[sflag:s23] =	ssyncset.done $0x0  }
0xa4: {  	s25 =	simm.s32 $0x1B8E;
	s24 =	sld [smem:$0x3FFE];
	[sflag:s23] =	ssyncadd.s32 $0xFFFFFFFF  }
0xa5: {  	s26 =	simm.s32 $execute0_lowered;
	[smem:$0x3FD2] =	sst s25  }
0xa6: {  	s5 =	sshll.u32 s26, $0x1;
	_ =	strace $0x80000046;
	[dreg:$0x1] =	wrdreg $0xFFFFFFFF  }
0xa7: {  	s28 =	simm.s32 $_size_execute0_lowered;
	s3 =	sadd.s32 s3, s5;
	[dreg:$0x0] =	wrdreg $0x0  }
0xa8: {  	s5 =	sshll.u32 s28, $0x1;
	[dreg:$0x2] =	wrdreg s3  }
0xa9: {  	[dreg:$0x3] =	wrdreg s5  }
0xaa: {  	[dreg:$0x4] =	wrdreg $0xC0  }
0xab: {  	_ =	task [dreg:s7], $0x5FFFF  }
0xac: {  	[dreg:$0x1] =	wrdreg $0xFFFFFFFF  }
0xad: {  	[dreg:$0x0] =	wrdreg $0x60  }
0xae: {  	[dreg:$0x2] =	wrdreg s24  }
0xaf: {  	[dreg:$0x3] =	wrdreg s2  }
0xb0: {  	[dreg:$0x4] =	wrdreg $0x0  }
0xb1: {  	[dreg:$0x5] =	wrdreg $0x9  }
0xb2: {  	_ =	task.clear_ibuf [dreg:s7], $0x6FFFF;
	_ =	strace $0x90000046  }
0xb3: {  	s29 =	simm.s32 $0x9;
	_ =	strace $0x80000048  }
0xb4: {  	_ =	swait.ge [sflag:s29], $0x1  }
0xb5: {  	[sflag:s29] =	ssyncadd.s32 $0xFFFFFFFF  }
0xb6: {  	_ =	strace $0x90000048  }
0xb7: {  	_ =	sfence  }
0xb8: {  	s30 =	sld [smem:$0x0];
	_ =	sdelay $0x2  }
0xb9: {  	s31 =	sshll.u32 s1, $0xD;
	s1 =	sshrl.u32 s1, $0x2  }
0xba: {  	s3 =	sand.u32 $0x4000, s31;
	s1 =	sadd.s32 s1, s30  }
0xbb: {  	s0 =	sor.u32 s3, s0;
	s1 =	sshll.u32 s1, $0x11  }
0xbc: {  	s0 =	sor.u32 s1, s0  }
0xbd: {  	s0 =	sadd.s32 $0x8F2B, s0  }
0xbe: {  	[sflag:s0] =	ssyncadd.remote.s32 $0x1  }
0xbf: {  	_ =	sfence.sel $0xFFFF  }
0xc0: {  	[dreg:$0x0] =	wrdreg $0xFFFFFFFF;
	(pc) =	sbr.abs _section_cstart, $3  }
0xc1: {  	[dreg:$0x1] =	wrdreg $0xFFFFFFFF  }
0xc2: {  	_ =	task.clear_ibuf [dreg:s7], $0x2FFFF;
	_ =	strace $0x9FFFFFFF  }
0xc3: {  	(tm) =	ssettm $0x7FFFFFFF  }
tec
execute0_lowered:
.L_overlay_start_1:
0x0: {  	(tag) =	ssettag $0x1  }
0x1: {  	s0 =	rddreg [dreg:$0x0]  }
0x2: {  	s10 =	rddreg [dreg:$0x1]  }
0x3: {  	s1 =	srdreg.scid;
	s9 =	stileid.u32  }
0x4: {  	s3 =	rddreg [dreg:$0x2];
	s4 =	simm.s32 $0x0;
	s28 =	simm.s32 $0x1  }
0x5: {  	s29 =	simm.s32 $0x2;
	s30 =	simm.s32 $0x6;
	s31 =	simm.s32 $0xE  }
0x6: {  	s1 =	sand.u32 $0x1, s1;
	s2 =	sshll.u32 s9, $0x1;
	s16 =	smul.u32 $0x190000, s9  }
0x7: {  	[smem:$0x7FF] =	sst s4;
	s5 =	sadd.s32 $0x19C00, s0;
	s19 =	smul.u32 $0x32000, s9  }
0x8: {  	s8 =	sshll.u32 s9, $0xF;
	s26 =	sshll.u32 s9, $0xC;
	s18 =	smul.u32 $0xC8000, s1  }
0x9: {  	s2 =	sor.u32 s1, s2;
	s7 =	ssub.s32 $0x2, s1;
	s1 =	smul.u32 $0x19000, s1  }
0xa: {  	s11 =	sshll.u32 s9, $0x6;
	s9 =	smov.u32 s10;
	s6 =	smul.u32 $0xC80, s2  }
0xb: {  	_ =	strace $0x80000047;
	s25 =	sshrl.u32 s7, $0x1;
	s12 =	smul.u32 $0x19000, s2  }
0xc: {  	s2 =	smul.u32 $0xC8000, s2;
	s24 =	sadd.s32 s18, s16;
	s16 =	simm.s32 $0x8  }
0xd: {  	s18 =	simm.s32 $0xA;
	s0 =	sadd.s32 s6, s0;
	s6 =	ssub.s32 s7, s25  }
0xe: {  	s7 =	sadd.s32 s8, s3;
	s8 =	sadd.s32 s5, s26;
	s17 =	sshrl.u32 s2, $0x3  }
0xf: {  	[dreg:$0x5] =	wrdreg s8;
	s8 =	sor.u32 $0x1C11, s11;
	s13 =	sadd.s32 $0xC00, s0  }
0x10: {  	s14 =	sadd.s32 $0xC10, s0;
	s15 =	sadd.s32 $0xC20, s0;
	[dreg:$0x6] =	wrdreg s8  }
0x11: {  	s11 =	sadd.s32 $0xC30, s0;
	s0 =	sadd.s32 s10, s17;
	[dreg:$0x7] =	wrdreg s13  }
0x12: {  	s25 =	smax.u32 s6, $0x1;
	s26 =	sshrl.u32 s7, $0x3;
	[dreg:$0x8] =	wrdreg s14  }
0x13: {  	s6 =	simm.s32 $0x3;
	s7 =	simm.s32 $0x7;
	[dreg:$0x9] =	wrdreg s15  }
0x14: {  	s17 =	simm.s32 $0x10;
	s13 =	sadd.s32 s10, s12;
	[dreg:$0x10] =	wrdreg s25  }
0x15: {  	s21 =	sadd.s32 $0x1000, s0;
	s22 =	sadd.s32 $0x17800, s0;
	[dreg:$0x12] =	wrdreg s26  }
0x16: {  	s23 =	sadd.s32 $0x18000, s0;
	s12 =	sadd.s32 s19, s9;
	[dreg:$0xa] =	wrdreg s13  }
0x17: {  	s0 =	sadd.s32 $0x18800, s0;
	s26 =	simm.s32 $0x12400;
	[dreg:$0xc] =	wrdreg s21  }
0x18: {  	s25 =	simm.s32 $0x16400;
	s14 =	simm.s32 $0x9;
	[dreg:$0xd] =	wrdreg s22  }
0x19: {  	s15 =	simm.s32 $0x4;
	s8 =	simm.s32 $0x0;
	[dreg:$0xe] =	wrdreg s23  }
0x1a: {  	s20 =	sadd.s32 $0x800, s13;
	[dreg:$0xf] =	wrdreg s0;
	s1 =	sadd.s32 s1, s12  }
0x1b: {  	s0 =	sadd.s32 $0x10000, s24;
	s22 =	simm.s32 $0x80;
	[dreg:$0xb] =	wrdreg s20  }
0x1c: {  	s24 =	simm.s32 $0xE400;
	s23 =	simm.s32 $0x1A400;
	[dreg:$0x11] =	wrdreg s0  }
0x1d: {  	s13 =	simm.s32 $0xF;
	s12 =	simm.s32 $0xC;
	[dreg:$0x4] =	wrdreg s1  }
0x1e: {  	s1 =	simm.s32 $0x5;
	s0 =	simm.s32 $0xD;
	s20 =	simm.s32 $0xB  }
.LBB2_1:
0x1f: {  	[dreg:$0x13] =	wrdreg s8  }
0x20: {  	s2 =	rddreg [dreg:$0x5]  }
0x21: {  	s19 =	rddreg [dreg:$0x6]  }
0x22: {  	s10 =	rddreg [dreg:$0x12];
	s21 =	simm.s32 $0x11  }
0x23: {  	[spmem:s10], [sflag:s19] =	dma.local [hbm:s2], $0x1000  }
0x24: {  	s8 =	simm.s32 $0x8200;
	_ =	swait.ge [sflag:s21], $0x1000  }
0x25: {  	s2 =	simm.s32 $0x40;
	[sflag:s21] =	ssyncset.done $0x0;
	s10 =	rddreg [dreg:$0x7]  }
0x26: {  	s19 =	simm.s32 $0x8000;
	[sflag:s21] =	ssyncadd.s32 $0xFFFFF000;
	s21 =	sadd.s32 $0x0, s10  }
.LBB2_2:
0x27: {  	[tilespmem:s19], [sflag:$0x11] =	stream.linear.gather [hbm4b:s21+s4], $0x80, $0x38;
	[tilespmem:$0x1E400] =	vst v63  }
0x28: {  	s21 =	smov.u32 s2;
	s19 =	smov.u32 s8;
	p0 =	sne.s32 s2, $0xC40  }
.Ltmp0:
0x29: {  	s2 =	sadd.s32 $0x40, s2;
	(pc) =	sbr.rel @p0 .LBB2_2-.Ltmp0, $2  }
0x2a: {  	_ =	sdelay $0x2  }
0x2b: {  	s8 =	sadd.s32 $0x200, s8;
	s21 =	sadd.s32 s21, s10  }
0x2c: {  	[tilespmem:s19], [sflag:$0x11] =	stream.linear.gather [hbm4b:s21+s4], $0x80, $0x38;
	[tilespmem:$0x1E400] =	vst v63  }
0x2d: {  	s2 =	simm.s32 $0x11  }
0x2e: {  	s8 =	simm.s32 $0x40;
	_ =	swait.ge [sflag:s2], $0x1900  }
0x2f: {  	s19 =	simm.s32 $0x8280;
	[sflag:s2] =	ssyncset.done $0x0;
	s10 =	rddreg [dreg:$0x8]  }
0x30: {  	[sflag:s2] =	ssyncadd.s32 $0xFFFFE700;
	s2 =	simm.s32 $0x8080;
	s21 =	sadd.s32 $0x0, s10  }
.LBB2_4:
0x31: {  	[tilespmem:s2], [sflag:$0x11] =	stream.linear.gather [hbm4b:s21+s4], $0x80, $0x38;
	[tilespmem:$0x1E400] =	vst v63  }
0x32: {  	s21 =	smov.u32 s8;
	s2 =	smov.u32 s19;
	p0 =	sne.s32 s8, $0xC40  }
.Ltmp1:
0x33: {  	s8 =	sadd.s32 $0x40, s8;
	(pc) =	sbr.rel @p0 .LBB2_4-.Ltmp1, $2  }
0x34: {  	_ =	sdelay $0x2  }
0x35: {  	s19 =	sadd.s32 $0x200, s19;
	s21 =	sadd.s32 s21, s10  }
0x36: {  	[tilespmem:s2], [sflag:$0x11] =	stream.linear.gather [hbm4b:s21+s4], $0x80, $0x38;
	[tilespmem:$0x1E400] =	vst v63  }
0x37: {  	s21 =	simm.s32 $0x11  }
0x38: {  	s2 =	simm.s32 $0x8100;
	_ =	swait.ge [sflag:s21], $0x1900  }
0x39: {  	s8 =	simm.s32 $0x40;
	[sflag:s21] =	ssyncset.done $0x0;
	s10 =	rddreg [dreg:$0x9]  }
0x3a: {  	s19 =	simm.s32 $0x8300;
	[sflag:s21] =	ssyncadd.s32 $0xFFFFE700;
	s21 =	sadd.s32 $0x0, s10  }
.LBB2_6:
0x3b: {  	[tilespmem:s2], [sflag:$0x11] =	stream.linear.gather [hbm4b:s21+s4], $0x80, $0x38;
	[tilespmem:$0x1E400] =	vst v63  }
0x3c: {  	s21 =	smov.u32 s8;
	s2 =	smov.u32 s19;
	p0 =	sne.s32 s8, $0xC40  }
.Ltmp2:
0x3d: {  	s8 =	sadd.s32 $0x40, s8;
	(pc) =	sbr.rel @p0 .LBB2_6-.Ltmp2, $2  }
0x3e: {  	_ =	sdelay $0x2  }
0x3f: {  	s19 =	sadd.s32 $0x200, s19;
	s21 =	sadd.s32 s21, s10  }
0x40: {  	[tilespmem:s2], [sflag:$0x11] =	stream.linear.gather [hbm4b:s21+s4], $0x80, $0x38;
	[tilespmem:$0x1E400] =	vst v63  }
0x41: {  	s21 =	simm.s32 $0x11  }
0x42: {  	_ =	swait.ge [sflag:s21], $0x1900  }
0x43: {  	s2 =	simm.s32 $0x8180;
	s8 =	simm.s32 $0x40;
	[sflag:s21] =	ssyncset.done $0x0  }
0x44: {  	s19 =	simm.s32 $0x8380;
	[sflag:s21] =	ssyncadd.s32 $0xFFFFE700;
	s21 =	sadd.s32 $0x0, s11  }
.LBB2_8:
0x45: {  	[tilespmem:s2], [sflag:$0x11] =	stream.linear.gather [hbm4b:s21+s4], $0x80, $0x38;
	[tilespmem:$0x1E400] =	vst v63  }
0x46: {  	s21 =	smov.u32 s8;
	s2 =	smov.u32 s19;
	p0 =	sne.s32 s8, $0xC40  }
.Ltmp3:
0x47: {  	s8 =	sadd.s32 $0x40, s8;
	(pc) =	sbr.rel @p0 .LBB2_8-.Ltmp3, $2  }
0x48: {  	_ =	sdelay $0x2  }
0x49: {  	s19 =	sadd.s32 $0x200, s19;
	s21 =	sadd.s32 s21, s11  }
0x4a: {  	[tilespmem:s2], [sflag:$0x11] =	stream.linear.gather [hbm4b:s21+s4], $0x80, $0x38;
	[tilespmem:$0x1E400] =	vst v63  }
0x4b: {  	s21 =	simm.s32 $0x11  }
0x4c: {  	_ =	swait.ge [sflag:s21], $0x1900  }
0x4d: {  	[sflag:s21] =	ssyncset.done $0x0  }
0x4e: {  	[sflag:s21] =	ssyncadd.s32 $0xFFFFE700  }
0x4f: {  	s8 =	simm.s32 $0x8000;
	[bflag:$0x0] =	sbarrier.arrive $0xFFFF  }
0x50: {  	[tilespmem:s24], [sflag:$0x1] =	stream.indirect.gather [spmem:s3], $0x80, s8, s22, $0xb8;
	[tilespmem:$0x1E400] =	vst v63  }
0x51: {  	s10 =	simm.s32 $0x8200  }
0x52: {  	[tilespmem:s26], [sflag:$0x2] =	stream.indirect.gather [spmem:s3], $0x80, s10, s22, $0xb8;
	[tilespmem:$0x1E400] =	vst v63  }
0x53: {  	_ =	swait.ge [sflag:s28], $0x4000  }
0x54: {  	[sflag:s28] =	ssyncset.done $0x0  }
0x55: {  	s19 =	simm.s32 $0x8080;
	[sflag:s28] =	ssyncadd.s32 $0xFFFFC000  }
0x56: {  	[tilespmem:s24], [sflag:$0x5] =	stream.indirect.gather.add.f32 [spmem:s3], $0x80, s19, s22, $0xb8;
	[tilespmem:$0x1E400] =	vst v63  }
0x57: {  	s21 =	simm.s32 $0x8100  }
0x58: {  	[tilespmem:s24], [sflag:$0x5] =	stream.indirect.gather.add.f32 [spmem:s3], $0x80, s21, s22, $0xb8;
	[tilespmem:$0x1E400] =	vst v63  }
0x59: {  	s8 =	simm.s32 $0x8180  }
0x5a: {  	[tilespmem:s24], [sflag:$0xD] =	stream.indirect.gather.add.f32 [hbm:s5], $0x80, s8, s22, $0xb8;
	[tilespmem:$0x1E400] =	vst v63  }
0x5b: {  	_ =	swait.ge [sflag:s1], $0x4000  }
0x5c: {  	[sflag:s1] =	ssyncset.done $0x0  }
0x5d: {  	[sflag:s1] =	ssyncadd.s32 $0xFFFFC000  }
0x5e: {  	_ =	swait.ge [sflag:s1], $0x4000  }
0x5f: {  	[sflag:s1] =	ssyncset.done $0x0  }
0x60: {  	[sflag:s1] =	ssyncadd.s32 $0xFFFFC000  }
0x61: {  	_ =	swait.ge [sflag:s0], $0x4000  }
0x62: {  	[sflag:s0] =	ssyncset.done $0x0  }
0x63: {  	s2 =	simm.s32 $0x0;
	s8 =	rddreg [dreg:$0xa];
	[sflag:s0] =	ssyncadd.s32 $0xFFFFC000  }
0x64: {  	[hbm4b:s8+s2] =	stream.linear.scatter [tilespmem:s24], [sflag:$0x9], $0x4000, $0x38;
	[tilespmem:$0x1E400] =	vst v63  }
0x65: {  	s10 =	simm.s32 $0x8400  }
0x66: {  	[tilespmem:s25], [sflag:$0x3] =	stream.indirect.gather [spmem:s3], $0x80, s10, s22, $0xb8;
	[tilespmem:$0x1E400] =	vst v63  }
0x67: {  	_ =	swait.ge [sflag:s29], $0x4000  }
0x68: {  	[sflag:s29] =	ssyncset.done $0x0  }
0x69: {  	s19 =	simm.s32 $0x8280;
	[sflag:s29] =	ssyncadd.s32 $0xFFFFC000  }
0x6a: {  	[tilespmem:s26], [sflag:$0x6] =	stream.indirect.gather.add.f32 [spmem:s3], $0x80, s19, s22, $0xb8;
	[tilespmem:$0x1E400] =	vst v63  }
0x6b: {  	s21 =	simm.s32 $0x8300  }
0x6c: {  	[tilespmem:s26], [sflag:$0x6] =	stream.indirect.gather.add.f32 [spmem:s3], $0x80, s21, s22, $0xb8;
	[tilespmem:$0x1E400] =	vst v63  }
0x6d: {  	s10 =	simm.s32 $0x8380  }
0x6e: {  	[tilespmem:s26], [sflag:$0xE] =	stream.indirect.gather.add.f32 [hbm:s5], $0x80, s10, s22, $0xb8;
	[tilespmem:$0x1E400] =	vst v63  }
0x6f: {  	_ =	swait.ge [sflag:s30], $0x4000  }
0x70: {  	[sflag:s30] =	ssyncset.done $0x0  }
0x71: {  	[sflag:s30] =	ssyncadd.s32 $0xFFFFC000  }
0x72: {  	_ =	swait.ge [sflag:s30], $0x4000  }
0x73: {  	[sflag:s30] =	ssyncset.done $0x0  }
0x74: {  	[sflag:s30] =	ssyncadd.s32 $0xFFFFC000  }
0x75: {  	_ =	swait.ge [sflag:s31], $0x4000  }
0x76: {  	[sflag:s31] =	ssyncset.done $0x0  }
0x77: {  	s19 =	rddreg [dreg:$0xb];
	[sflag:s31] =	ssyncadd.s32 $0xFFFFC000  }
0x78: {  	[hbm4b:s19+s2] =	stream.linear.scatter [tilespmem:s26], [sflag:$0xA], $0x4000, $0x38;
	[tilespmem:$0x1E400] =	vst v63  }
0x79: {  	s21 =	simm.s32 $0x8600  }
0x7a: {  	[tilespmem:s23], [sflag:$0x4] =	stream.indirect.gather [spmem:s3], $0x80, s21, s22, $0xb8;
	[tilespmem:$0x1E400] =	vst v63  }
0x7b: {  	_ =	swait.ge [sflag:s6], $0x4000  }
0x7c: {  	[sflag:s6] =	ssyncset.done $0x0  }
0x7d: {  	s10 =	simm.s32 $0x8480;
	[sflag:s6] =	ssyncadd.s32 $0xFFFFC000  }
0x7e: {  	[tilespmem:s25], [sflag:$0x7] =	stream.indirect.gather.add.f32 [spmem:s3], $0x80, s10, s22, $0xb8;
	[tilespmem:$0x1E400] =	vst v63  }
0x7f: {  	s19 =	simm.s32 $0x8500  }
0x80: {  	[tilespmem:s25], [sflag:$0x7] =	stream.indirect.gather.add.f32 [spmem:s3], $0x80, s19, s22, $0xb8;
	[tilespmem:$0x1E400] =	vst v63  }
0x81: {  	s21 =	simm.s32 $0x8580  }
0x82: {  	[tilespmem:s25], [sflag:$0xF] =	stream.indirect.gather.add.f32 [hbm:s5], $0x80, s21, s22, $0xb8;
	[tilespmem:$0x1E400] =	vst v63  }
0x83: {  	_ =	swait.ge [sflag:s7], $0x4000  }
0x84: {  	[sflag:s7] =	ssyncset.done $0x0  }
0x85: {  	[sflag:s7] =	ssyncadd.s32 $0xFFFFC000  }
0x86: {  	_ =	swait.ge [sflag:s7], $0x4000  }
0x87: {  	[sflag:s7] =	ssyncset.done $0x0  }
0x88: {  	[sflag:s7] =	ssyncadd.s32 $0xFFFFC000  }
0x89: {  	_ =	swait.ge [sflag:s13], $0x4000  }
0x8a: {  	[sflag:s13] =	ssyncset.done $0x0  }
0x8b: {  	s10 =	rddreg [dreg:$0xc];
	[sflag:s13] =	ssyncadd.s32 $0xFFFFC000  }
0x8c: {  	[hbm4b:s10+s2] =	stream.linear.scatter [tilespmem:s25], [sflag:$0xB], $0x4000, $0x38;
	[tilespmem:$0x1E400] =	vst v63  }
0x8d: {  	_ =	swait.ge [sflag:s14], $0x4000  }
0x8e: {  	[sflag:s14] =	ssyncset.done $0x0  }
0x8f: {  	s19 =	simm.s32 $0x8800;
	[sflag:s14] =	ssyncadd.s32 $0xFFFFC000  }
0x90: {  	[tilespmem:s24], [sflag:$0x1] =	stream.indirect.gather [spmem:s3], $0x80, s19, s22, $0xb8;
	[tilespmem:$0x1E400] =	vst v63  }
0x91: {  	_ =	swait.ge [sflag:s15], $0x4000  }
0x92: {  	[sflag:s15] =	ssyncset.done $0x0  }
0x93: {  	s21 =	simm.s32 $0x8680;
	[sflag:s15] =	ssyncadd.s32 $0xFFFFC000  }
0x94: {  	[tilespmem:s23], [sflag:$0x8] =	stream.indirect.gather.add.f32 [spmem:s3], $0x80, s21, s22, $0xb8;
	[tilespmem:$0x1E400] =	vst v63  }
0x95: {  	s8 =	simm.s32 $0x8700  }
0x96: {  	[tilespmem:s23], [sflag:$0x8] =	stream.indirect.gather.add.f32 [spmem:s3], $0x80, s8, s22, $0xb8;
	[tilespmem:$0x1E400] =	vst v63  }
0x97: {  	s10 =	simm.s32 $0x8780  }
0x98: {  	[tilespmem:s23], [sflag:$0x10] =	stream.indirect.gather.add.f32 [hbm:s5], $0x80, s10, s22, $0xb8;
	[tilespmem:$0x1E400] =	vst v63  }
0x99: {  	_ =	swait.ge [sflag:s16], $0x4000  }
0x9a: {  	[sflag:s16] =	ssyncset.done $0x0  }
0x9b: {  	[sflag:s16] =	ssyncadd.s32 $0xFFFFC000  }
0x9c: {  	_ =	swait.ge [sflag:s16], $0x4000  }
0x9d: {  	[sflag:s16] =	ssyncset.done $0x0  }
0x9e: {  	[sflag:s16] =	ssyncadd.s32 $0xFFFFC000  }
0x9f: {  	_ =	swait.ge [sflag:s17], $0x4000  }
0xa0: {  	s19 =	rddreg [dreg:$0x4]  }
0xa1: {  	[sflag:s17] =	ssyncset.done $0x0;
	s2 =	sadd.s32 $0x0, s19  }
0xa2: {  	[sflag:s17] =	ssyncadd.s32 $0xFFFFC000;
	s21 =	sadd.s32 $0x1800, s2  }
0xa3: {  	[hbm4b:s21+s4] =	stream.linear.scatter [tilespmem:s23], [sflag:$0xC], $0x4000, $0x38;
	[tilespmem:$0x1E400] =	vst v63  }
0xa4: {  	_ =	swait.ge [sflag:s18], $0x4000  }
0xa5: {  	[sflag:s18] =	ssyncset.done $0x0  }
0xa6: {  	s10 =	simm.s32 $0x8A00;
	[sflag:s18] =	ssyncadd.s32 $0xFFFFC000  }
0xa7: {  	[tilespmem:s26], [sflag:$0x2] =	stream.indirect.gather [spmem:s3], $0x80, s10, s22, $0xb8;
	[tilespmem:$0x1E400] =	vst v63  }
0xa8: {  	_ =	swait.ge [sflag:s28], $0x4000  }
0xa9: {  	[sflag:s28] =	ssyncset.done $0x0  }
0xaa: {  	s19 =	simm.s32 $0x8880;
	[sflag:s28] =	ssyncadd.s32 $0xFFFFC000  }
0xab: {  	[tilespmem:s24], [sflag:$0x5] =	stream.indirect.gather.add.f32 [spmem:s3], $0x80, s19, s22, $0xb8;
	[tilespmem:$0x1E400] =	vst v63  }
0xac: {  	s21 =	simm.s32 $0x8900  }
0xad: {  	[tilespmem:s24], [sflag:$0x5] =	stream.indirect.gather.add.f32 [spmem:s3], $0x80, s21, s22, $0xb8;
	[tilespmem:$0x1E400] =	vst v63  }
0xae: {  	s10 =	simm.s32 $0x8980  }
0xaf: {  	[tilespmem:s24], [sflag:$0xD] =	stream.indirect.gather.add.f32 [hbm:s5], $0x80, s10, s22, $0xb8;
	[tilespmem:$0x1E400] =	vst v63  }
0xb0: {  	_ =	swait.ge [sflag:s1], $0x4000  }
0xb1: {  	[sflag:s1] =	ssyncset.done $0x0  }
0xb2: {  	[sflag:s1] =	ssyncadd.s32 $0xFFFFC000  }
0xb3: {  	_ =	swait.ge [sflag:s1], $0x4000  }
0xb4: {  	[sflag:s1] =	ssyncset.done $0x0  }
0xb5: {  	[sflag:s1] =	ssyncadd.s32 $0xFFFFC000  }
0xb6: {  	_ =	swait.ge [sflag:s0], $0x4000  }
0xb7: {  	s10 =	rddreg [dreg:$0x11]  }
0xb8: {  	[sflag:s0] =	ssyncset.done $0x0;
	s19 =	sshrl.u32 s10, $0x3  }
0xb9: {  	[sflag:s0] =	ssyncadd.s32 $0xFFFFC000;
	s8 =	sadd.s32 s9, s19  }
0xba: {  	[hbm4b:s8+s4] =	stream.linear.scatter [tilespmem:s24], [sflag:$0x9], $0x4000, $0x38;
	[tilespmem:$0x1E400] =	vst v63  }
0xbb: {  	_ =	swait.ge [sflag:s20], $0x4000  }
0xbc: {  	[sflag:s20] =	ssyncset.done $0x0  }
0xbd: {  	s21 =	simm.s32 $0x8C00;
	[sflag:s20] =	ssyncadd.s32 $0xFFFFC000  }
0xbe: {  	[tilespmem:s25], [sflag:$0x3] =	stream.indirect.gather [spmem:s3], $0x80, s21, s22, $0xb8;
	[tilespmem:$0x1E400] =	vst v63  }
0xbf: {  	_ =	swait.ge [sflag:s29], $0x4000  }
0xc0: {  	[sflag:s29] =	ssyncset.done $0x0  }
0xc1: {  	s19 =	simm.s32 $0x8A80;
	[sflag:s29] =	ssyncadd.s32 $0xFFFFC000  }
0xc2: {  	[tilespmem:s26], [sflag:$0x6] =	stream.indirect.gather.add.f32 [spmem:s3], $0x80, s19, s22, $0xb8;
	[tilespmem:$0x1E400] =	vst v63  }
0xc3: {  	s21 =	simm.s32 $0x8B00  }
0xc4: {  	[tilespmem:s26], [sflag:$0x6] =	stream.indirect.gather.add.f32 [spmem:s3], $0x80, s21, s22, $0xb8;
	[tilespmem:$0x1E400] =	vst v63  }
0xc5: {  	s19 =	simm.s32 $0x8B80  }
0xc6: {  	[tilespmem:s26], [sflag:$0xE] =	stream.indirect.gather.add.f32 [hbm:s5], $0x80, s19, s22, $0xb8;
	[tilespmem:$0x1E400] =	vst v63  }
0xc7: {  	_ =	swait.ge [sflag:s30], $0x4000  }
0xc8: {  	[sflag:s30] =	ssyncset.done $0x0  }
0xc9: {  	[sflag:s30] =	ssyncadd.s32 $0xFFFFC000  }
0xca: {  	_ =	swait.ge [sflag:s30], $0x4000  }
0xcb: {  	[sflag:s30] =	ssyncset.done $0x0  }
0xcc: {  	[sflag:s30] =	ssyncadd.s32 $0xFFFFC000  }
0xcd: {  	_ =	swait.ge [sflag:s31], $0x4000  }
0xce: {  	[sflag:s31] =	ssyncset.done $0x0  }
0xcf: {  	s21 =	sadd.s32 $0x2800, s2;
	[sflag:s31] =	ssyncadd.s32 $0xFFFFC000  }
0xd0: {  	[hbm4b:s21+s4] =	stream.linear.scatter [tilespmem:s26], [sflag:$0xA], $0x4000, $0x38;
	[tilespmem:$0x1E400] =	vst v63  }
0xd1: {  	_ =	swait.ge [sflag:s12], $0x4000  }
0xd2: {  	[sflag:s12] =	ssyncset.done $0x0  }
0xd3: {  	s19 =	simm.s32 $0x8E00;
	[sflag:s12] =	ssyncadd.s32 $0xFFFFC000  }
0xd4: {  	[tilespmem:s23], [sflag:$0x4] =	stream.indirect.gather [spmem:s3], $0x80, s19, s22, $0xb8;
	[tilespmem:$0x1E400] =	vst v63  }
0xd5: {  	_ =	swait.ge [sflag:s6], $0x4000  }
0xd6: {  	[sflag:s6] =	ssyncset.done $0x0  }
0xd7: {  	s21 =	simm.s32 $0x8C80;
	[sflag:s6] =	ssyncadd.s32 $0xFFFFC000  }
0xd8: {  	[tilespmem:s25], [sflag:$0x7] =	stream.indirect.gather.add.f32 [spmem:s3], $0x80, s21, s22, $0xb8;
	[tilespmem:$0x1E400] =	vst v63  }
0xd9: {  	s19 =	simm.s32 $0x8D00  }
0xda: {  	[tilespmem:s25], [sflag:$0x7] =	stream.indirect.gather.add.f32 [spmem:s3], $0x80, s19, s22, $0xb8;
	[tilespmem:$0x1E400] =	vst v63  }
0xdb: {  	s21 =	simm.s32 $0x8D80  }
0xdc: {  	[tilespmem:s25], [sflag:$0xF] =	stream.indirect.gather.add.f32 [hbm:s5], $0x80, s21, s22, $0xb8;
	[tilespmem:$0x1E400] =	vst v63  }
0xdd: {  	_ =	swait.ge [sflag:s7], $0x4000  }
0xde: {  	[sflag:s7] =	ssyncset.done $0x0  }
0xdf: {  	[sflag:s7] =	ssyncadd.s32 $0xFFFFC000  }
0xe0: {  	_ =	swait.ge [sflag:s7], $0x4000  }
0xe1: {  	[sflag:s7] =	ssyncset.done $0x0  }
0xe2: {  	[sflag:s7] =	ssyncadd.s32 $0xFFFFC000  }
0xe3: {  	_ =	swait.ge [sflag:s13], $0x4000  }
0xe4: {  	[sflag:s13] =	ssyncset.done $0x0  }
0xe5: {  	s2 =	sadd.s32 $0x3000, s2;
	[sflag:s13] =	ssyncadd.s32 $0xFFFFC000  }
0xe6: {  	[hbm4b:s2+s4] =	stream.linear.scatter [tilespmem:s25], [sflag:$0xB], $0x4000, $0x38;
	[tilespmem:$0x1E400] =	vst v63  }
0xe7: {  	_ =	swait.ge [sflag:s14], $0x4000  }
0xe8: {  	[sflag:s14] =	ssyncset.done $0x0  }
0xe9: {  	s8 =	simm.s32 $0x9000;
	[sflag:s14] =	ssyncadd.s32 $0xFFFFC000  }
0xea: {  	[tilespmem:s24], [sflag:$0x1] =	stream.indirect.gather [spmem:s3], $0x80, s8, s22, $0xb8;
	[tilespmem:$0x1E400] =	vst v63  }
0xeb: {  	_ =	swait.ge [sflag:s15], $0x4000  }
0xec: {  	[sflag:s15] =	ssyncset.done $0x0  }
0xed: {  	s19 =	simm.s32 $0x8E80;
	[sflag:s15] =	ssyncadd.s32 $0xFFFFC000  }
0xee: {  	[tilespmem:s23], [sflag:$0x8] =	stream.indirect.gather.add.f32 [spmem:s3], $0x80, s19, s22, $0xb8;
	[tilespmem:$0x1E400] =	vst v63  }
0xef: {  	s21 =	simm.s32 $0x8F00;
	s2 =	simm.s32 $0x8F80  }
0xf0: {  	[tilespmem:s23], [sflag:$0x8] =	stream.indirect.gather.add.f32 [spmem:s3], $0x80, s21, s22, $0xb8;
	[tilespmem:$0x1E400] =	vst v63  }
0xf1: {  	s19 =	sadd.s32 $0x10000, s10;
	s10 =	smov.u32 s9;
	s21 =	simm.s32 $0x2000  }
.LBB2_10:
0xf2: {  	[tilespmem:s23], [sflag:$0x10] =	stream.indirect.gather.add.f32 [hbm:s5], $0x80, s2, s22, $0xb8;
	[tilespmem:$0x1E400] =	vst v63  }
0xf3: {  	_ =	swait.ge [sflag:s16], $0x4000  }
0xf4: {  	[sflag:s16] =	ssyncset.done $0x0  }
0xf5: {  	[sflag:s16] =	ssyncadd.s32 $0xFFFFC000  }
0xf6: {  	_ =	swait.ge [sflag:s16], $0x4000  }
0xf7: {  	[sflag:s16] =	ssyncset.done $0x0  }
0xf8: {  	[sflag:s16] =	ssyncadd.s32 $0xFFFFC000  }
0xf9: {  	_ =	swait.ge [sflag:s17], $0x4000  }
0xfa: {  	s2 =	smov.u32 s21;
	s8 =	rddreg [dreg:$0x4]  }
0xfb: {  	[sflag:s17] =	ssyncset.done $0x0;
	s8 =	sadd.s32 s2, s8  }
0xfc: {  	[sflag:s17] =	ssyncadd.s32 $0xFFFFC000;
	s9 =	sadd.s32 $0x1800, s8  }
0xfd: {  	[hbm4b:s9+s4] =	stream.linear.scatter [tilespmem:s23], [sflag:$0xC], $0x4000, $0x38;
	[tilespmem:$0x1E400] =	vst v63  }
0xfe: {  	_ =	swait.ge [sflag:s18], $0x4000  }
0xff: {  	s2 =	sshra.s32 s2, $0x2;
	[sflag:s18] =	ssyncset.done $0x0  }
0x100: {  	s9 =	sadd.s32 $0x8A00, s2;
	[sflag:s18] =	ssyncadd.s32 $0xFFFFC000  }
0x101: {  	[tilespmem:s26], [sflag:$0x2] =	stream.indirect.gather [spmem:s3], $0x80, s9, s22, $0xb8;
	[tilespmem:$0x1E400] =	vst v63  }
0x102: {  	_ =	swait.ge [sflag:s28], $0x4000  }
0x103: {  	[sflag:s28] =	ssyncset.done $0x0  }
0x104: {  	s9 =	sadd.s32 $0x8880, s2;
	[sflag:s28] =	ssyncadd.s32 $0xFFFFC000  }
0x105: {  	[tilespmem:s24], [sflag:$0x5] =	stream.indirect.gather.add.f32 [spmem:s3], $0x80, s9, s22, $0xb8;
	[tilespmem:$0x1E400] =	vst v63  }
0x106: {  	s9 =	sadd.s32 $0x8900, s2  }
0x107: {  	[tilespmem:s24], [sflag:$0x5] =	stream.indirect.gather.add.f32 [spmem:s3], $0x80, s9, s22, $0xb8;
	[tilespmem:$0x1E400] =	vst v63  }
0x108: {  	s9 =	sadd.s32 $0x8980, s2  }
0x109: {  	[tilespmem:s24], [sflag:$0xD] =	stream.indirect.gather.add.f32 [hbm:s5], $0x80, s9, s22, $0xb8;
	[tilespmem:$0x1E400] =	vst v63  }
0x10a: {  	_ =	swait.ge [sflag:s1], $0x4000  }
0x10b: {  	[sflag:s1] =	ssyncset.done $0x0  }
0x10c: {  	[sflag:s1] =	ssyncadd.s32 $0xFFFFC000  }
0x10d: {  	_ =	swait.ge [sflag:s1], $0x4000  }
0x10e: {  	[sflag:s1] =	ssyncset.done $0x0  }
0x10f: {  	[sflag:s1] =	ssyncadd.s32 $0xFFFFC000  }
0x110: {  	_ =	swait.ge [sflag:s0], $0x4000  }
0x111: {  	s9 =	sshrl.u32 s19, $0x3;
	[sflag:s0] =	ssyncset.done $0x0  }
0x112: {  	s9 =	sadd.s32 s10, s9;
	[sflag:s0] =	ssyncadd.s32 $0xFFFFC000  }
0x113: {  	[hbm4b:s9+s4] =	stream.linear.scatter [tilespmem:s24], [sflag:$0x9], $0x4000, $0x38;
	[tilespmem:$0x1E400] =	vst v63  }
0x114: {  	_ =	swait.ge [sflag:s20], $0x4000  }
0x115: {  	[sflag:s20] =	ssyncset.done $0x0  }
0x116: {  	s9 =	sadd.s32 $0x8C00, s2;
	[sflag:s20] =	ssyncadd.s32 $0xFFFFC000  }
0x117: {  	[tilespmem:s25], [sflag:$0x3] =	stream.indirect.gather [spmem:s3], $0x80, s9, s22, $0xb8;
	[tilespmem:$0x1E400] =	vst v63  }
0x118: {  	_ =	swait.ge [sflag:s29], $0x4000  }
0x119: {  	[sflag:s29] =	ssyncset.done $0x0  }
0x11a: {  	s9 =	sadd.s32 $0x8A80, s2;
	[sflag:s29] =	ssyncadd.s32 $0xFFFFC000  }
0x11b: {  	[tilespmem:s26], [sflag:$0x6] =	stream.indirect.gather.add.f32 [spmem:s3], $0x80, s9, s22, $0xb8;
	[tilespmem:$0x1E400] =	vst v63  }
0x11c: {  	s9 =	sadd.s32 $0x8B00, s2  }
0x11d: {  	[tilespmem:s26], [sflag:$0x6] =	stream.indirect.gather.add.f32 [spmem:s3], $0x80, s9, s22, $0xb8;
	[tilespmem:$0x1E400] =	vst v63  }
0x11e: {  	s9 =	sadd.s32 $0x8B80, s2  }
0x11f: {  	[tilespmem:s26], [sflag:$0xE] =	stream.indirect.gather.add.f32 [hbm:s5], $0x80, s9, s22, $0xb8;
	[tilespmem:$0x1E400] =	vst v63  }
0x120: {  	_ =	swait.ge [sflag:s30], $0x4000  }
0x121: {  	[sflag:s30] =	ssyncset.done $0x0  }
0x122: {  	[sflag:s30] =	ssyncadd.s32 $0xFFFFC000  }
0x123: {  	_ =	swait.ge [sflag:s30], $0x4000  }
0x124: {  	[sflag:s30] =	ssyncset.done $0x0  }
0x125: {  	[sflag:s30] =	ssyncadd.s32 $0xFFFFC000  }
0x126: {  	_ =	swait.ge [sflag:s31], $0x4000  }
0x127: {  	[sflag:s31] =	ssyncset.done $0x0  }
0x128: {  	s9 =	sadd.s32 $0x2800, s8;
	[sflag:s31] =	ssyncadd.s32 $0xFFFFC000  }
0x129: {  	[hbm4b:s9+s4] =	stream.linear.scatter [tilespmem:s26], [sflag:$0xA], $0x4000, $0x38;
	[tilespmem:$0x1E400] =	vst v63  }
0x12a: {  	_ =	swait.ge [sflag:s12], $0x4000  }
0x12b: {  	[sflag:s12] =	ssyncset.done $0x0  }
0x12c: {  	s9 =	sadd.s32 $0x8E00, s2;
	[sflag:s12] =	ssyncadd.s32 $0xFFFFC000  }
0x12d: {  	[tilespmem:s23], [sflag:$0x4] =	stream.indirect.gather [spmem:s3], $0x80, s9, s22, $0xb8;
	[tilespmem:$0x1E400] =	vst v63  }
0x12e: {  	_ =	swait.ge [sflag:s6], $0x4000  }
0x12f: {  	[sflag:s6] =	ssyncset.done $0x0  }
0x130: {  	s9 =	sadd.s32 $0x8C80, s2;
	[sflag:s6] =	ssyncadd.s32 $0xFFFFC000  }
0x131: {  	[tilespmem:s25], [sflag:$0x7] =	stream.indirect.gather.add.f32 [spmem:s3], $0x80, s9, s22, $0xb8;
	[tilespmem:$0x1E400] =	vst v63  }
0x132: {  	s9 =	sadd.s32 $0x8D00, s2  }
0x133: {  	[tilespmem:s25], [sflag:$0x7] =	stream.indirect.gather.add.f32 [spmem:s3], $0x80, s9, s22, $0xb8;
	[tilespmem:$0x1E400] =	vst v63  }
0x134: {  	s9 =	sadd.s32 $0x8D80, s2  }
0x135: {  	[tilespmem:s25], [sflag:$0xF] =	stream.indirect.gather.add.f32 [hbm:s5], $0x80, s9, s22, $0xb8;
	[tilespmem:$0x1E400] =	vst v63  }
0x136: {  	_ =	swait.ge [sflag:s7], $0x4000  }
0x137: {  	[sflag:s7] =	ssyncset.done $0x0  }
0x138: {  	[sflag:s7] =	ssyncadd.s32 $0xFFFFC000  }
0x139: {  	_ =	swait.ge [sflag:s7], $0x4000  }
0x13a: {  	[sflag:s7] =	ssyncset.done $0x0  }
0x13b: {  	[sflag:s7] =	ssyncadd.s32 $0xFFFFC000  }
0x13c: {  	_ =	swait.ge [sflag:s13], $0x4000  }
0x13d: {  	[sflag:s13] =	ssyncset.done $0x0  }
0x13e: {  	s8 =	sadd.s32 $0x3000, s8;
	[sflag:s13] =	ssyncadd.s32 $0xFFFFC000  }
0x13f: {  	[hbm4b:s8+s4] =	stream.linear.scatter [tilespmem:s25], [sflag:$0xB], $0x4000, $0x38;
	[tilespmem:$0x1E400] =	vst v63  }
0x140: {  	_ =	swait.ge [sflag:s14], $0x4000  }
0x141: {  	[sflag:s14] =	ssyncset.done $0x0  }
0x142: {  	s9 =	sadd.s32 $0x9000, s2;
	[sflag:s14] =	ssyncadd.s32 $0xFFFFC000  }
0x143: {  	[tilespmem:s24], [sflag:$0x1] =	stream.indirect.gather [spmem:s3], $0x80, s9, s22, $0xb8;
	[tilespmem:$0x1E400] =	vst v63  }
0x144: {  	p0 =	sne.s32 s21, $0x14000;
	_ =	swait.ge [sflag:s15], $0x4000  }
.Ltmp4:
0x145: {  	[sflag:s15] =	ssyncset.done $0x0;
	(pc) =	sbr.rel @p0 .LBB2_10-.Ltmp4, $4  }
0x146: {  	s21 =	sadd.s32 $0x2000, s21;
	s9 =	sadd.s32 $0x8E80, s2;
	[sflag:s15] =	ssyncadd.s32 $0xFFFFC000  }
0x147: {  	[tilespmem:s23], [sflag:$0x8] =	stream.indirect.gather.add.f32 [spmem:s3], $0x80, s9, s22, $0xb8;
	[tilespmem:$0x1E400] =	vst v63  }
0x148: {  	s19 =	sadd.s32 $0x10000, s19;
	s9 =	sadd.s32 $0x8F00, s2;
	s2 =	sadd.s32 $0x8F80, s2  }
0x149: {  	[tilespmem:s23], [sflag:$0x8] =	stream.indirect.gather.add.f32 [spmem:s3], $0x80, s9, s22, $0xb8;
	[tilespmem:$0x1E400] =	vst v63  }
0x14a: {  	[tilespmem:s23], [sflag:$0x10] =	stream.indirect.gather.add.f32 [hbm:s5], $0x80, s2, s22, $0xb8;
	[tilespmem:$0x1E400] =	vst v63  }
0x14b: {  	_ =	swait.ge [sflag:s16], $0x4000  }
0x14c: {  	[sflag:s16] =	ssyncset.done $0x0  }
0x14d: {  	[sflag:s16] =	ssyncadd.s32 $0xFFFFC000  }
0x14e: {  	_ =	swait.ge [sflag:s16], $0x4000  }
0x14f: {  	[sflag:s16] =	ssyncset.done $0x0  }
0x150: {  	[sflag:s16] =	ssyncadd.s32 $0xFFFFC000  }
0x151: {  	_ =	swait.ge [sflag:s17], $0x4000  }
0x152: {  	[sflag:s17] =	ssyncset.done $0x0  }
0x153: {  	s9 =	rddreg [dreg:$0xd];
	[sflag:s17] =	ssyncadd.s32 $0xFFFFC000  }
0x154: {  	[hbm4b:s9+s4] =	stream.linear.scatter [tilespmem:s23], [sflag:$0xC], $0x4000, $0x38;
	[tilespmem:$0x1E400] =	vst v63  }
0x155: {  	_ =	swait.ge [sflag:s18], $0x4000  }
0x156: {  	[sflag:s18] =	ssyncset.done $0x0  }
0x157: {  	s19 =	simm.s32 $0xE200;
	[sflag:s18] =	ssyncadd.s32 $0xFFFFC000  }
0x158: {  	[tilespmem:s26], [sflag:$0x2] =	stream.indirect.gather [spmem:s3], $0x80, s19, s22, $0xb8;
	[tilespmem:$0x1E400] =	vst v63  }
0x159: {  	_ =	swait.ge [sflag:s28], $0x4000  }
0x15a: {  	[sflag:s28] =	ssyncset.done $0x0  }
0x15b: {  	s21 =	simm.s32 $0xE080;
	[sflag:s28] =	ssyncadd.s32 $0xFFFFC000  }
0x15c: {  	[tilespmem:s24], [sflag:$0x5] =	stream.indirect.gather.add.f32 [spmem:s3], $0x80, s21, s22, $0xb8;
	[tilespmem:$0x1E400] =	vst v63  }
0x15d: {  	s8 =	simm.s32 $0xE100  }
0x15e: {  	[tilespmem:s24], [sflag:$0x5] =	stream.indirect.gather.add.f32 [spmem:s3], $0x80, s8, s22, $0xb8;
	[tilespmem:$0x1E400] =	vst v63  }
0x15f: {  	s9 =	simm.s32 $0xE180  }
0x160: {  	[tilespmem:s24], [sflag:$0xD] =	stream.indirect.gather.add.f32 [hbm:s5], $0x80, s9, s22, $0xb8;
	[tilespmem:$0x1E400] =	vst v63  }
0x161: {  	_ =	swait.ge [sflag:s1], $0x4000  }
0x162: {  	[sflag:s1] =	ssyncset.done $0x0  }
0x163: {  	[sflag:s1] =	ssyncadd.s32 $0xFFFFC000  }
0x164: {  	_ =	swait.ge [sflag:s1], $0x4000  }
0x165: {  	[sflag:s1] =	ssyncset.done $0x0  }
0x166: {  	[sflag:s1] =	ssyncadd.s32 $0xFFFFC000  }
0x167: {  	_ =	swait.ge [sflag:s0], $0x4000  }
0x168: {  	[sflag:s0] =	ssyncset.done $0x0  }
0x169: {  	s19 =	rddreg [dreg:$0xe];
	[sflag:s0] =	ssyncadd.s32 $0xFFFFC000  }
0x16a: {  	[hbm4b:s19+s4] =	stream.linear.scatter [tilespmem:s24], [sflag:$0x9], $0x4000, $0x38;
	[tilespmem:$0x1E400] =	vst v63  }
0x16b: {  	_ =	swait.ge [sflag:s20], $0x4000  }
0x16c: {  	[sflag:s20] =	ssyncset.done $0x0  }
0x16d: {  	[sflag:s20] =	ssyncadd.s32 $0xFFFFC000  }
0x16e: {  	_ =	swait.ge [sflag:s29], $0x4000  }
0x16f: {  	[sflag:s29] =	ssyncset.done $0x0  }
0x170: {  	s21 =	simm.s32 $0xE280;
	[sflag:s29] =	ssyncadd.s32 $0xFFFFC000  }
0x171: {  	[tilespmem:s26], [sflag:$0x6] =	stream.indirect.gather.add.f32 [spmem:s3], $0x80, s21, s22, $0xb8;
	[tilespmem:$0x1E400] =	vst v63  }
0x172: {  	s8 =	simm.s32 $0xE300  }
0x173: {  	[tilespmem:s26], [sflag:$0x6] =	stream.indirect.gather.add.f32 [spmem:s3], $0x80, s8, s22, $0xb8;
	[tilespmem:$0x1E400] =	vst v63  }
0x174: {  	s9 =	simm.s32 $0xE380  }
0x175: {  	[tilespmem:s26], [sflag:$0xE] =	stream.indirect.gather.add.f32 [hbm:s5], $0x80, s9, s22, $0xb8;
	[tilespmem:$0x1E400] =	vst v63  }
0x176: {  	_ =	swait.ge [sflag:s30], $0x4000  }
0x177: {  	[sflag:s30] =	ssyncset.done $0x0  }
0x178: {  	[sflag:s30] =	ssyncadd.s32 $0xFFFFC000  }
0x179: {  	_ =	swait.ge [sflag:s30], $0x4000  }
0x17a: {  	[sflag:s30] =	ssyncset.done $0x0  }
0x17b: {  	[sflag:s30] =	ssyncadd.s32 $0xFFFFC000  }
0x17c: {  	_ =	swait.ge [sflag:s31], $0x4000  }
0x17d: {  	[sflag:s31] =	ssyncset.done $0x0  }
0x17e: {  	s19 =	rddreg [dreg:$0xf];
	[sflag:s31] =	ssyncadd.s32 $0xFFFFC000  }
0x17f: {  	[hbm4b:s19+s4] =	stream.linear.scatter [tilespmem:s26], [sflag:$0xA], $0x4000, $0x38;
	[tilespmem:$0x1E400] =	vst v63  }
0x180: {  	_ =	swait.ge [sflag:s12], $0x4000  }
0x181: {  	[sflag:s12] =	ssyncset.done $0x0  }
0x182: {  	[sflag:s12] =	ssyncadd.s32 $0xFFFFC000  }
0x183: {  	_ =	swait.ge [sflag:s14], $0x4000  }
0x184: {  	[sflag:s14] =	ssyncset.done $0x0  }
0x185: {  	[sflag:s14] =	ssyncadd.s32 $0xFFFFC000  }
0x186: {  	_ =	swait.ge [sflag:s18], $0x4000  }
0x187: {  	s8 =	rddreg [dreg:$0x13]  }
0x188: {  	s21 =	rddreg [dreg:$0x10];
	s8 =	sadd.s32 $0x1, s8  }
0x189: {  	p0 =	sne.s32 s8, s21  }
.Ltmp5:
0x18a: {  	_ = 	snop;
	(pc) =	sbr.rel @p0 .LBB2_1-.Ltmp5, $3  }
0x18b: {  	_ =	sdelay $0x1  }
0x18c: {  	[sflag:s18] =	ssyncset.done $0x0  }
0x18d: {  	s9 =	smov.u32 s10;
	[sflag:s18] =	ssyncadd.s32 $0xFFFFC000  }
0x18e: {  	_ =	sfence.sel $0x180000  }
0x18f: {  	[bflag:$0x0] =	sbarrier.arrive $0xFFFF  }
0x190: {  	_ =	strace $0x90000047  }
0x191: {  	s0 =	stileid.u32;
	[bflag:$0x2] =	sbarrier.arrive $0xFFFF  }
0x192: {  	p0 =	sne.s32 s0, $0x0;
	s0 =	rddreg [dreg:$0x3]  }
0x193: {  	s0 =	sadd.s32 @!p0 $0x100000, s0  }
0x194: {  	[sflag:s0] =	ssyncadd.tile.s32 @!p0 $0x1;
	_ =	shalt  }
.Lfunc_end2:
_tile_overlayer_lowered:
.L_overlay_start_2:
0x195: {  	(tag) =	ssettag $0x2  }
0x196: {  	s0 =	rddreg [dreg:$0x0];
	s2 =	stileid.u32  }
0x197: {  	s1 =	rddreg [dreg:$0x1];
	p0 =	sne.s32 s2, $0x0  }
0x198: {  	s3 =	rddreg [dreg:$0x2];
	[bflag:$0x3] =	sbarrier.arrive $0xFFFF;
	s2 =	simm.s32 @!p0 $0x1C11  }
0x199: {  	[timem:s3], [sflag:s2] =	dma.local @!p0 [hbm:s0], s1  }
0x19a: {  	s0 =	simm.s32 @!p0 $0x11  }
0x19b: {  	_ =	swait.ge @!p0 [sflag:s0], s1  }
0x19c: {  	s1 =	ssub.s32 @!p0 $0x0, s1;
	[sflag:s0] =	ssyncset.done @!p0 $0x0  }
0x19d: {  	[sflag:s0] =	ssyncadd.s32 @!p0 s1  }
0x19e: {  	[bflag:$0x3] =	sbarrier.arrive $0xFFFF  }
0x19f: {  	_ =	shalt  }

</sc_bundles>
